<compile_context>
chip_gen: v7x
topology: tpu7x:2x2x1
jax: 0.10.2.dev20260603
libtpu: 0.0.44.dev20260713+nightly
codegen_flags: <defaults>
</compile_context>

<pallas_src>
import math
import numpy as np
import jax
import jax.numpy as jnp
from jax import lax
from jax.experimental import pallas as pl
from jax.experimental.pallas import tpu as pltpu
from jax.experimental.pallas import tpu_sc as plsc

VOCAB = 100000
D = 128
S = 200
B = 4096

NC = 2
NS = 16
NW = NC * NS
ROWS = B * S
RPW = ROWS // NW
CHUNK = 128
NCHUNKS = RPW // CHUNK


def _make_pos_enc():
    pos_enc = np.zeros((S, D), dtype=np.float32)
    position = np.arange(0, S, dtype=np.float32)[:, None]
    div_term = np.exp(
        np.arange(0, D, 2, dtype=np.float32) * (-math.log(10000.0) / D))
    pos_enc[:, 0::2] = np.sin(position * div_term)
    pos_enc[:, 1::2] = np.cos(position * div_term)
    ext = np.concatenate([pos_enc, pos_enc[:CHUNK]], axis=0)
    return jnp.asarray(ext)


_MESH = plsc.VectorSubcoreMesh(core_axis_name="c", subcore_axis_name="s")


NBUF = 5
NGROUP = NCHUNKS // NBUF


def _body(ids_hbm, table_hbm, pe_hbm, out_hbm, idx_v, pe_sh, bufs,
          psems, gsems, wsems):
    sid = lax.axis_index("s")
    wid = sid * NC + lax.axis_index("c")
    base = wid * RPW
    pltpu.sync_copy(ids_hbm.at[wid], idx_v)
    @pl.when(sid == 0)
    def _():
        pltpu.sync_copy(pe_hbm, pe_sh)

    plsc.subcore_barrier()

    def prefill_start(j, buf, sem):
        p0 = lax.rem(j * CHUNK, S)
        pltpu.async_copy(pe_sh.at[pl.ds(p0, CHUNK)], buf, sem)

    def prefill_wait(j, buf, sem):
        p0 = lax.rem(j * CHUNK, S)
        pltpu.make_async_copy(pe_sh.at[pl.ds(p0, CHUNK)], buf, sem).wait()

    def gather_start(j, buf, sem):
        pltpu.async_copy(table_hbm.at[idx_v.at[j]], buf, sem, add=True)

    def gather_wait(j, buf, sem):
        pltpu.make_async_copy(table_hbm.at[idx_v.at[j]], buf, sem).wait()

    def write_start(j, buf, sem):
        pltpu.async_copy(buf, out_hbm.at[pl.ds(base + j * CHUNK, CHUNK)], sem)

    def write_wait(j, buf, sem):
        pltpu.make_async_copy(
            buf, out_hbm.at[pl.ds(base + j * CHUNK, CHUNK)], sem).wait()

    def group_step(g, carry):
        for t in range(NBUF):
            j = g * NBUF + t

            @pl.when(g > 0)
            def _():
                write_wait(j - NBUF, bufs[t], wsems[t])

            prefill_start(j, bufs[t], psems[t])

            tp = (t - 1) % NBUF
            if t >= 1:
                prefill_wait(j - 1, bufs[tp], psems[tp])
                gather_start(j - 1, bufs[tp], gsems[tp])
            else:
                @pl.when(g > 0)
                def _():
                    prefill_wait(j - 1, bufs[tp], psems[tp])
                    gather_start(j - 1, bufs[tp], gsems[tp])

            tg = (t - 4) % NBUF
            if t >= 4:
                gather_wait(j - 4, bufs[tg], gsems[tg])
                write_start(j - 4, bufs[tg], wsems[tg])
            else:
                @pl.when(g > 0)
                def _():
                    gather_wait(j - 4, bufs[tg], gsems[tg])
                    write_start(j - 4, bufs[tg], wsems[tg])

        return carry

    lax.fori_loop(0, NGROUP, group_step, 0, unroll=False)

    last = NCHUNKS - 1
    prefill_wait(last, bufs[NBUF - 1], psems[NBUF - 1])
    gather_start(last, bufs[NBUF - 1], gsems[NBUF - 1])
    for j in (NCHUNKS - 4, NCHUNKS - 3, NCHUNKS - 2, NCHUNKS - 1):
        b = j % NBUF
        gather_wait(j, bufs[b], gsems[b])
        write_start(j, bufs[b], wsems[b])
    for j in range(NCHUNKS - NBUF, NCHUNKS):
        b = j % NBUF
        write_wait(j, bufs[b], wsems[b])


_sc_call = pl.kernel(
    _body,
    out_type=jax.ShapeDtypeStruct((ROWS, D), jnp.float32),
    mesh=_MESH,
    scratch_types=[
        pltpu.VMEM((NCHUNKS, CHUNK), jnp.int32),
        pltpu.VMEM_SHARED((S + CHUNK, D), jnp.float32),
        tuple(pltpu.VMEM((CHUNK, D), jnp.float32) for _ in range(NBUF)),
        tuple(pltpu.SemaphoreType.DMA for _ in range(NBUF)),
        tuple(pltpu.SemaphoreType.DMA for _ in range(NBUF)),
        tuple(pltpu.SemaphoreType.DMA for _ in range(NBUF)),
    ],
)


def kernel(input_ids, table):
    ids = input_ids.astype(jnp.int32).reshape(NW, NCHUNKS, CHUNK)
    pe = _make_pos_enc()
    out = _sc_call(ids, table, pe)
    return out.reshape(B, S, D)

# --- scband reference (transcript-rebuilt; emitter-appended) ---
"""Pipeline reference for scband-embedding-38740605010257 (READ-ONLY COPY).

The authoritative reference and input builder live on the scoring server;
editing this copy changes nothing except your own understanding.
"""

import jax, jax.numpy as jnp
import numpy as np
import math

VOCAB_SIZE = 100000
EMBEDDING_DIM = 128
MAX_LEN = 512
BATCH = 4096
SEQ_LEN = 200


def create_positional_encoding(max_len, embedding_dim):
    pos_enc = np.zeros((max_len, embedding_dim), dtype=np.float32)
    position = np.arange(0, max_len, dtype=np.float32)[:, None]
    div_term = np.exp(np.arange(0, embedding_dim, 2, dtype=np.float32) * (-math.log(10000.0) / embedding_dim))
    pos_enc[:, 0::2] = np.sin(position * div_term)
    pos_enc[:, 1::2] = np.cos(position * div_term)
    return jnp.asarray(pos_enc)[None, :, :]  # (1, max_len, embedding_dim)


def setup_inputs(seed: int = 0) -> dict:
    key = jax.random.key(seed)
    k1, k2 = jax.random.split(key)
    input_ids = jax.random.randint(k1, (BATCH, SEQ_LEN), 0, VOCAB_SIZE, dtype=jnp.int64 if jax.config.jax_enable_x64 else jnp.int32)
    # nn.Embedding default init: N(0, 1)
    table = jax.random.normal(k2, (VOCAB_SIZE, EMBEDDING_DIM), dtype=jnp.float32)
    return {"input_ids": input_ids, "table": table}


def reference(input_ids, table):
    # gather: embedding lookup -> (B, S, D)
    embedded = jnp.take(table, input_ids, axis=0)
    pos_enc = create_positional_encoding(MAX_LEN, EMBEDDING_DIM)
    seq_len = input_ids.shape[1]
    positional_enc = pos_enc[:, :seq_len, :]
    return embedded + positional_enc

if __name__ == "__main__":
    import jax
    _d = setup_inputs()
    print(jax.jit(kernel)(*tuple(_d.values())))

</pallas_src>

<mosaic_0001>
#map = affine_map<(d0, d1) -> (0, 0, 0)>
#map1 = affine_map<(d0, d1) -> (0, 0)>
module attributes {stable_mosaic.version = 14 : i64} {
  func.func @_body(%arg0: i32, %arg1: i32, %arg2: memref<32x200x128xi32, #tpu.memory_space<hbm>>, %arg3: memref<100000x128xf32, #tpu.memory_space<hbm>>, %arg4: memref<328x128xf32, #tpu.memory_space<hbm>>, %arg5: memref<819200x128xf32, #tpu.memory_space<hbm>>, %arg6: memref<200x128xi32, #tpu.memory_space<vmem>>, %arg7: memref<328x128xf32, #tpu.memory_space<vmem_shared>>, %arg8: memref<128x128xf32, #tpu.memory_space<vmem>>, %arg9: memref<128x128xf32, #tpu.memory_space<vmem>>, %arg10: memref<128x128xf32, #tpu.memory_space<vmem>>, %arg11: memref<128x128xf32, #tpu.memory_space<vmem>>, %arg12: memref<128x128xf32, #tpu.memory_space<vmem>>, %arg13: memref<!tpu.dma_semaphore, #tpu.memory_space<semaphore_mem>>, %arg14: memref<!tpu.dma_semaphore, #tpu.memory_space<semaphore_mem>>, %arg15: memref<!tpu.dma_semaphore, #tpu.memory_space<semaphore_mem>>, %arg16: memref<!tpu.dma_semaphore, #tpu.memory_space<semaphore_mem>>, %arg17: memref<!tpu.dma_semaphore, #tpu.memory_space<semaphore_mem>>, %arg18: memref<!tpu.dma_semaphore, #tpu.memory_space<semaphore_mem>>, %arg19: memref<!tpu.dma_semaphore, #tpu.memory_space<semaphore_mem>>, %arg20: memref<!tpu.dma_semaphore, #tpu.memory_space<semaphore_mem>>, %arg21: memref<!tpu.dma_semaphore, #tpu.memory_space<semaphore_mem>>, %arg22: memref<!tpu.dma_semaphore, #tpu.memory_space<semaphore_mem>>, %arg23: memref<!tpu.dma_semaphore, #tpu.memory_space<semaphore_mem>>, %arg24: memref<!tpu.dma_semaphore, #tpu.memory_space<semaphore_mem>>, %arg25: memref<!tpu.dma_semaphore, #tpu.memory_space<semaphore_mem>>, %arg26: memref<!tpu.dma_semaphore, #tpu.memory_space<semaphore_mem>>, %arg27: memref<!tpu.dma_semaphore, #tpu.memory_space<semaphore_mem>>) attributes {dimension_semantics = [#tpu.dimension_semantics<core_parallel>, #tpu.dimension_semantics<subcore_parallel>], iteration_bounds = array<i64: 2, 16>, scalar_prefetch = 0 : i64, scratch_operands = 22 : i64, tpu.core_type = #tpu.core_type<sc_vector_subcore>, window_params = [{transform_indices = #map}, {transform_indices = #map1}, {transform_indices = #map1}, {transform_indices = #map1}]} {
    %mul3A = arith.constant 2 : i32
    %mul3A_0 = arith.muli %arg1, %mul3A : i32
    %add3A = arith.addi %mul3A_0, %arg0 : i32
    %mul3A_1 = arith.constant 25600 : i32
    %mul3A_2 = arith.muli %add3A, %mul3A_1 : i32
    "tpu.region"() ({
      %run_scoped3A = tpu.sem_alloc : memref<!tpu.dma_semaphore, #tpu.memory_space<semaphore_mem>>
      %dma_start3A_103 = arith.constant 0 : i32
      %dma_start3A_104 = arith.constant 0 : i32
      %dma_start3A_105 = tpu.memref_slice %arg2[%add3A, %dma_start3A_103, %dma_start3A_104] : memref<32x200x128xi32, #tpu.memory_space<hbm>> -> memref<1x200x128xi32, #tpu.memory_space<hbm>>
      %dma_start3A_106 = tpu.memref_squeeze %dma_start3A_105 : memref<1x200x128xi32, #tpu.memory_space<hbm>> -> memref<200x128xi32, #tpu.memory_space<hbm>>
      %dma_start3A_107 = arith.constant 0 : i32
      %dma_start3A_108 = arith.constant 0 : i32
      %dma_start3A_109 = tpu.memref_slice %arg2[%add3A, %dma_start3A_107, %dma_start3A_108] : memref<32x200x128xi32, #tpu.memory_space<hbm>> -> memref<1x200x128xi32, #tpu.memory_space<hbm>>
      %dma_start3A_110 = tpu.memref_squeeze %dma_start3A_109 : memref<1x200x128xi32, #tpu.memory_space<hbm>> -> memref<200x128xi32, #tpu.memory_space<hbm>>
      tpu.enqueue_dma source(%dma_start3A_110 : memref<200x128xi32, #tpu.memory_space<hbm>>) target(%arg6 : memref<200x128xi32, #tpu.memory_space<vmem>>) target_semaphore(%run_scoped3A : memref<!tpu.dma_semaphore, #tpu.memory_space<semaphore_mem>>)
      %dma_wait3A_111 = arith.constant 0 : i32
      %dma_wait3A_112 = arith.constant 0 : i32
      %dma_wait3A_113 = tpu.memref_slice %arg2[%add3A, %dma_wait3A_111, %dma_wait3A_112] : memref<32x200x128xi32, #tpu.memory_space<hbm>> -> memref<1x200x128xi32, #tpu.memory_space<hbm>>
      %dma_wait3A_114 = tpu.memref_squeeze %dma_wait3A_113 : memref<1x200x128xi32, #tpu.memory_space<hbm>> -> memref<200x128xi32, #tpu.memory_space<hbm>>
      %dma_wait3A_115 = arith.constant 0 : i32
      %dma_wait3A_116 = arith.constant 0 : i32
      %dma_wait3A_117 = tpu.memref_slice %arg2[%add3A, %dma_wait3A_115, %dma_wait3A_116] : memref<32x200x128xi32, #tpu.memory_space<hbm>> -> memref<1x200x128xi32, #tpu.memory_space<hbm>>
      %dma_wait3A_118 = tpu.memref_squeeze %dma_wait3A_117 : memref<1x200x128xi32, #tpu.memory_space<hbm>> -> memref<200x128xi32, #tpu.memory_space<hbm>>
      tpu.wait_dma2 semaphore(%run_scoped3A : memref<!tpu.dma_semaphore, #tpu.memory_space<semaphore_mem>>) src(%dma_wait3A_118 : memref<200x128xi32, #tpu.memory_space<hbm>>) dst(%arg6 : memref<200x128xi32, #tpu.memory_space<vmem>>)
      tpu.yield
    }) : () -> ()
    %eq3A = arith.constant 0 : i32
    %eq3A_3 = arith.cmpi eq, %arg1, %eq3A : i32
    %convert_element_type3A = arith.extui %eq3A_3 : i1 to i32
    %cond3A = arith.constant 0 : i32
    %cond3A_4 = arith.cmpi ne, %convert_element_type3A, %cond3A : i32
    scf.if %cond3A_4 {
      "tpu.region"() ({
        %run_scoped3A = tpu.sem_alloc : memref<!tpu.dma_semaphore, #tpu.memory_space<semaphore_mem>>
        tpu.enqueue_dma source(%arg4 : memref<328x128xf32, #tpu.memory_space<hbm>>) target(%arg7 : memref<328x128xf32, #tpu.memory_space<vmem_shared>>) target_semaphore(%run_scoped3A : memref<!tpu.dma_semaphore, #tpu.memory_space<semaphore_mem>>)
        tpu.wait_dma2 semaphore(%run_scoped3A : memref<!tpu.dma_semaphore, #tpu.memory_space<semaphore_mem>>) src(%arg4 : memref<328x128xf32, #tpu.memory_space<hbm>>) dst(%arg7 : memref<328x128xf32, #tpu.memory_space<vmem_shared>>)
        tpu.yield
      }) : () -> ()
    } else {
    }
    %barrier3A = arith.constant 0 : index
    tpu.barrier barrier_id(%barrier3A)
    %scan3A = arith.constant 0 : i32
    %scan3A_5 = arith.constant 0 : i32
    %scan3A_6 = arith.constant 40 : i32
    %scan3A_7 = arith.addi %scan3A_5, %scan3A_6 : i32
    %scan3A_8 = arith.constant 1 : i32
    scf.for %scan3A_103 = %scan3A_5 to %scan3A_7 step %scan3A_8  : i32 {
      %mul3A_104 = arith.constant 5 : i32
      %mul3A_105 = arith.muli %scan3A_103, %mul3A_104 : i32
      %add3A_106 = arith.constant 0 : i32
      %add3A_107 = arith.addi %mul3A_105, %add3A_106 : i32
      %gt3A = arith.constant 0 : i32
      %gt3A_108 = arith.cmpi sgt, %scan3A_103, %gt3A : i32
      %convert_element_type3A_109 = arith.extui %gt3A_108 : i1 to i32
      %cond3A_110 = arith.constant 0 : i32
      %cond3A_111 = arith.cmpi ne, %convert_element_type3A_109, %cond3A_110 : i32
      scf.if %cond3A_111 {
        %sub3A_301 = arith.constant 5 : i32
        %sub3A_302 = arith.subi %add3A_107, %sub3A_301 : i32
        %mul3A_303 = arith.constant 128 : i32
        %mul3A_304 = arith.muli %sub3A_302, %mul3A_303 : i32
        %add3A_305 = arith.addi %mul3A_2, %mul3A_304 : i32
        %dma_wait3A_306 = arith.constant 0 : i32
        %dma_wait3A_307 = tpu.memref_slice %arg5[%add3A_305, %dma_wait3A_306] : memref<819200x128xf32, #tpu.memory_space<hbm>> -> memref<128x128xf32, #tpu.memory_space<hbm>>
        %dma_wait3A_308 = arith.constant 0 : i32
        %dma_wait3A_309 = tpu.memref_slice %arg5[%add3A_305, %dma_wait3A_308] : memref<819200x128xf32, #tpu.memory_space<hbm>> -> memref<128x128xf32, #tpu.memory_space<hbm>>
        tpu.wait_dma2 semaphore(%arg23 : memref<!tpu.dma_semaphore, #tpu.memory_space<semaphore_mem>>) src(%arg8 : memref<128x128xf32, #tpu.memory_space<vmem>>) dst(%dma_wait3A_309 : memref<128x128xf32, #tpu.memory_space<hbm>>)
      } else {
      }
      %mul3A_112 = arith.constant 128 : i32
      %mul3A_113 = arith.muli %add3A_107, %mul3A_112 : i32
      %rem3A_114 = arith.constant 200 : i32
      %rem3A_115 = arith.remsi %mul3A_113, %rem3A_114 : i32
      %dma_start3A_116 = arith.constant 0 : i32
      %dma_start3A_117 = tpu.memref_slice %arg7[%rem3A_115, %dma_start3A_116] : memref<328x128xf32, #tpu.memory_space<vmem_shared>> -> memref<128x128xf32, #tpu.memory_space<vmem_shared>>
      %dma_start3A_118 = arith.constant 0 : i32
      %dma_start3A_119 = tpu.memref_slice %arg7[%rem3A_115, %dma_start3A_118] : memref<328x128xf32, #tpu.memory_space<vmem_shared>> -> memref<128x128xf32, #tpu.memory_space<vmem_shared>>
      tpu.enqueue_dma source(%dma_start3A_119 : memref<128x128xf32, #tpu.memory_space<vmem_shared>>) target(%arg8 : memref<128x128xf32, #tpu.memory_space<vmem>>) target_semaphore(%arg13 : memref<!tpu.dma_semaphore, #tpu.memory_space<semaphore_mem>>)
      %gt3A_120 = arith.constant 0 : i32
      %gt3A_121 = arith.cmpi sgt, %scan3A_103, %gt3A_120 : i32
      %convert_element_type3A_122 = arith.extui %gt3A_121 : i1 to i32
      %cond3A_123 = arith.constant 0 : i32
      %cond3A_124 = arith.cmpi ne, %convert_element_type3A_122, %cond3A_123 : i32
      scf.if %cond3A_124 {
        %sub3A_301 = arith.constant 1 : i32
        %sub3A_302 = arith.subi %add3A_107, %sub3A_301 : i32
        %mul3A_303 = arith.constant 128 : i32
        %mul3A_304 = arith.muli %sub3A_302, %mul3A_303 : i32
        %rem3A_305 = arith.constant 200 : i32
        %rem3A_306 = arith.remsi %mul3A_304, %rem3A_305 : i32
        %dma_wait3A_307 = arith.constant 0 : i32
        %dma_wait3A_308 = tpu.memref_slice %arg7[%rem3A_306, %dma_wait3A_307] : memref<328x128xf32, #tpu.memory_space<vmem_shared>> -> memref<128x128xf32, #tpu.memory_space<vmem_shared>>
        %dma_wait3A_309 = arith.constant 0 : i32
        %dma_wait3A_310 = tpu.memref_slice %arg7[%rem3A_306, %dma_wait3A_309] : memref<328x128xf32, #tpu.memory_space<vmem_shared>> -> memref<128x128xf32, #tpu.memory_space<vmem_shared>>
        tpu.wait_dma2 semaphore(%arg17 : memref<!tpu.dma_semaphore, #tpu.memory_space<semaphore_mem>>) src(%dma_wait3A_310 : memref<128x128xf32, #tpu.memory_space<vmem_shared>>) dst(%arg12 : memref<128x128xf32, #tpu.memory_space<vmem>>)
        %sub3A_311 = arith.constant 1 : i32
        %sub3A_312 = arith.subi %add3A_107, %sub3A_311 : i32
        %dma_start3A_313 = arith.constant 0 : i32
        %dma_start3A_314 = tpu.memref_slice %arg6[%sub3A_312, %dma_start3A_313] : memref<200x128xi32, #tpu.memory_space<vmem>> -> memref<1x128xi32, #tpu.memory_space<vmem>>
        %dma_start3A_315 = tpu.memref_squeeze %dma_start3A_314 : memref<1x128xi32, #tpu.memory_space<vmem>> -> memref<128xi32, #tpu.memory_space<vmem>>
        %dma_start3A_316 = arith.constant 0 : i32
        %dma_start3A_317 = arith.constant 0 : i32
        %dma_start3A_318 = tpu.memref_slice %arg3[%dma_start3A_316, %dma_start3A_317] : memref<100000x128xf32, #tpu.memory_space<hbm>> -> memref<100000x128xf32, #tpu.memory_space<hbm>>
        tpu.enqueue_indirect_dma source(%dma_start3A_318 : memref<100000x128xf32, #tpu.memory_space<hbm>>) target(%arg12 : memref<128x128xf32, #tpu.memory_space<vmem>>) offsets(%dma_start3A_315 : memref<128xi32, #tpu.memory_space<vmem>>) semaphore(%arg22 : memref<!tpu.dma_semaphore, #tpu.memory_space<semaphore_mem>>) {add = true}
      } else {
      }
      %gt3A_125 = arith.constant 0 : i32
      %gt3A_126 = arith.cmpi sgt, %scan3A_103, %gt3A_125 : i32
      %convert_element_type3A_127 = arith.extui %gt3A_126 : i1 to i32
      %cond3A_128 = arith.constant 0 : i32
      %cond3A_129 = arith.cmpi ne, %convert_element_type3A_127, %cond3A_128 : i32
      scf.if %cond3A_129 {
        %sub3A_301 = arith.constant 4 : i32
        %sub3A_302 = arith.subi %add3A_107, %sub3A_301 : i32
        %dma_wait3A_303 = arith.constant 0 : i32
        %dma_wait3A_304 = tpu.memref_slice %arg6[%sub3A_302, %dma_wait3A_303] : memref<200x128xi32, #tpu.memory_space<vmem>> -> memref<1x128xi32, #tpu.memory_space<vmem>>
        %dma_wait3A_305 = tpu.memref_squeeze %dma_wait3A_304 : memref<1x128xi32, #tpu.memory_space<vmem>> -> memref<128xi32, #tpu.memory_space<vmem>>
        %dma_wait3A_306 = arith.constant 0 : i32
        %dma_wait3A_307 = arith.constant 0 : i32
        %dma_wait3A_308 = tpu.memref_slice %arg3[%dma_wait3A_306, %dma_wait3A_307] : memref<100000x128xf32, #tpu.memory_space<hbm>> -> memref<100000x128xf32, #tpu.memory_space<hbm>>
        tpu.wait_indirect_dma semaphore(%arg19 : memref<!tpu.dma_semaphore, #tpu.memory_space<semaphore_mem>>) src(%dma_wait3A_308 : memref<100000x128xf32, #tpu.memory_space<hbm>>) dst(%arg9 : memref<128x128xf32, #tpu.memory_space<vmem>>)
        %sub3A_309 = arith.constant 4 : i32
        %sub3A_310 = arith.subi %add3A_107, %sub3A_309 : i32
        %mul3A_311 = arith.constant 128 : i32
        %mul3A_312 = arith.muli %sub3A_310, %mul3A_311 : i32
        %add3A_313 = arith.addi %mul3A_2, %mul3A_312 : i32
        %dma_start3A_314 = arith.constant 0 : i32
        %dma_start3A_315 = tpu.memref_slice %arg5[%add3A_313, %dma_start3A_314] : memref<819200x128xf32, #tpu.memory_space<hbm>> -> memref<128x128xf32, #tpu.memory_space<hbm>>
        %dma_start3A_316 = arith.constant 0 : i32
        %dma_start3A_317 = tpu.memref_slice %arg5[%add3A_313, %dma_start3A_316] : memref<819200x128xf32, #tpu.memory_space<hbm>> -> memref<128x128xf32, #tpu.memory_space<hbm>>
        tpu.enqueue_dma source(%arg9 : memref<128x128xf32, #tpu.memory_space<vmem>>) target(%dma_start3A_317 : memref<128x128xf32, #tpu.memory_space<hbm>>) target_semaphore(%arg24 : memref<!tpu.dma_semaphore, #tpu.memory_space<semaphore_mem>>)
      } else {
      }
      %mul3A_130 = arith.constant 5 : i32
      %mul3A_131 = arith.muli %scan3A_103, %mul3A_130 : i32
      %add3A_132 = arith.constant 1 : i32
      %add3A_133 = arith.addi %mul3A_131, %add3A_132 : i32
      %gt3A_134 = arith.constant 0 : i32
      %gt3A_135 = arith.cmpi sgt, %scan3A_103, %gt3A_134 : i32
      %convert_element_type3A_136 = arith.extui %gt3A_135 : i1 to i32
      %cond3A_137 = arith.constant 0 : i32
      %cond3A_138 = arith.cmpi ne, %convert_element_type3A_136, %cond3A_137 : i32
      scf.if %cond3A_138 {
        %sub3A_301 = arith.constant 5 : i32
        %sub3A_302 = arith.subi %add3A_133, %sub3A_301 : i32
        %mul3A_303 = arith.constant 128 : i32
        %mul3A_304 = arith.muli %sub3A_302, %mul3A_303 : i32
        %add3A_305 = arith.addi %mul3A_2, %mul3A_304 : i32
        %dma_wait3A_306 = arith.constant 0 : i32
        %dma_wait3A_307 = tpu.memref_slice %arg5[%add3A_305, %dma_wait3A_306] : memref<819200x128xf32, #tpu.memory_space<hbm>> -> memref<128x128xf32, #tpu.memory_space<hbm>>
        %dma_wait3A_308 = arith.constant 0 : i32
        %dma_wait3A_309 = tpu.memref_slice %arg5[%add3A_305, %dma_wait3A_308] : memref<819200x128xf32, #tpu.memory_space<hbm>> -> memref<128x128xf32, #tpu.memory_space<hbm>>
        tpu.wait_dma2 semaphore(%arg24 : memref<!tpu.dma_semaphore, #tpu.memory_space<semaphore_mem>>) src(%arg9 : memref<128x128xf32, #tpu.memory_space<vmem>>) dst(%dma_wait3A_309 : memref<128x128xf32, #tpu.memory_space<hbm>>)
      } else {
      }
      %mul3A_139 = arith.constant 128 : i32
      %mul3A_140 = arith.muli %add3A_133, %mul3A_139 : i32
      %rem3A_141 = arith.constant 200 : i32
      %rem3A_142 = arith.remsi %mul3A_140, %rem3A_141 : i32
      %dma_start3A_143 = arith.constant 0 : i32
      %dma_start3A_144 = tpu.memref_slice %arg7[%rem3A_142, %dma_start3A_143] : memref<328x128xf32, #tpu.memory_space<vmem_shared>> -> memref<128x128xf32, #tpu.memory_space<vmem_shared>>
      %dma_start3A_145 = arith.constant 0 : i32
      %dma_start3A_146 = tpu.memref_slice %arg7[%rem3A_142, %dma_start3A_145] : memref<328x128xf32, #tpu.memory_space<vmem_shared>> -> memref<128x128xf32, #tpu.memory_space<vmem_shared>>
      tpu.enqueue_dma source(%dma_start3A_146 : memref<128x128xf32, #tpu.memory_space<vmem_shared>>) target(%arg9 : memref<128x128xf32, #tpu.memory_space<vmem>>) target_semaphore(%arg14 : memref<!tpu.dma_semaphore, #tpu.memory_space<semaphore_mem>>)
      %sub3A = arith.constant 1 : i32
      %sub3A_147 = arith.subi %add3A_133, %sub3A : i32
      %mul3A_148 = arith.constant 128 : i32
      %mul3A_149 = arith.muli %sub3A_147, %mul3A_148 : i32
      %rem3A_150 = arith.constant 200 : i32
      %rem3A_151 = arith.remsi %mul3A_149, %rem3A_150 : i32
      %dma_wait3A_152 = arith.constant 0 : i32
      %dma_wait3A_153 = tpu.memref_slice %arg7[%rem3A_151, %dma_wait3A_152] : memref<328x128xf32, #tpu.memory_space<vmem_shared>> -> memref<128x128xf32, #tpu.memory_space<vmem_shared>>
      %dma_wait3A_154 = arith.constant 0 : i32
      %dma_wait3A_155 = tpu.memref_slice %arg7[%rem3A_151, %dma_wait3A_154] : memref<328x128xf32, #tpu.memory_space<vmem_shared>> -> memref<128x128xf32, #tpu.memory_space<vmem_shared>>
      tpu.wait_dma2 semaphore(%arg13 : memref<!tpu.dma_semaphore, #tpu.memory_space<semaphore_mem>>) src(%dma_wait3A_155 : memref<128x128xf32, #tpu.memory_space<vmem_shared>>) dst(%arg8 : memref<128x128xf32, #tpu.memory_space<vmem>>)
      %sub3A_156 = arith.constant 1 : i32
      %sub3A_157 = arith.subi %add3A_133, %sub3A_156 : i32
      %dma_start3A_158 = arith.constant 0 : i32
      %dma_start3A_159 = tpu.memref_slice %arg6[%sub3A_157, %dma_start3A_158] : memref<200x128xi32, #tpu.memory_space<vmem>> -> memref<1x128xi32, #tpu.memory_space<vmem>>
      %dma_start3A_160 = tpu.memref_squeeze %dma_start3A_159 : memref<1x128xi32, #tpu.memory_space<vmem>> -> memref<128xi32, #tpu.memory_space<vmem>>
      %dma_start3A_161 = arith.constant 0 : i32
      %dma_start3A_162 = arith.constant 0 : i32
      %dma_start3A_163 = tpu.memref_slice %arg3[%dma_start3A_161, %dma_start3A_162] : memref<100000x128xf32, #tpu.memory_space<hbm>> -> memref<100000x128xf32, #tpu.memory_space<hbm>>
      tpu.enqueue_indirect_dma source(%dma_start3A_163 : memref<100000x128xf32, #tpu.memory_space<hbm>>) target(%arg8 : memref<128x128xf32, #tpu.memory_space<vmem>>) offsets(%dma_start3A_160 : memref<128xi32, #tpu.memory_space<vmem>>) semaphore(%arg18 : memref<!tpu.dma_semaphore, #tpu.memory_space<semaphore_mem>>) {add = true}
      %gt3A_164 = arith.constant 0 : i32
      %gt3A_165 = arith.cmpi sgt, %scan3A_103, %gt3A_164 : i32
      %convert_element_type3A_166 = arith.extui %gt3A_165 : i1 to i32
      %cond3A_167 = arith.constant 0 : i32
      %cond3A_168 = arith.cmpi ne, %convert_element_type3A_166, %cond3A_167 : i32
      scf.if %cond3A_168 {
        %sub3A_301 = arith.constant 4 : i32
        %sub3A_302 = arith.subi %add3A_133, %sub3A_301 : i32
        %dma_wait3A_303 = arith.constant 0 : i32
        %dma_wait3A_304 = tpu.memref_slice %arg6[%sub3A_302, %dma_wait3A_303] : memref<200x128xi32, #tpu.memory_space<vmem>> -> memref<1x128xi32, #tpu.memory_space<vmem>>
        %dma_wait3A_305 = tpu.memref_squeeze %dma_wait3A_304 : memref<1x128xi32, #tpu.memory_space<vmem>> -> memref<128xi32, #tpu.memory_space<vmem>>
        %dma_wait3A_306 = arith.constant 0 : i32
        %dma_wait3A_307 = arith.constant 0 : i32
        %dma_wait3A_308 = tpu.memref_slice %arg3[%dma_wait3A_306, %dma_wait3A_307] : memref<100000x128xf32, #tpu.memory_space<hbm>> -> memref<100000x128xf32, #tpu.memory_space<hbm>>
        tpu.wait_indirect_dma semaphore(%arg20 : memref<!tpu.dma_semaphore, #tpu.memory_space<semaphore_mem>>) src(%dma_wait3A_308 : memref<100000x128xf32, #tpu.memory_space<hbm>>) dst(%arg10 : memref<128x128xf32, #tpu.memory_space<vmem>>)
        %sub3A_309 = arith.constant 4 : i32
        %sub3A_310 = arith.subi %add3A_133, %sub3A_309 : i32
        %mul3A_311 = arith.constant 128 : i32
        %mul3A_312 = arith.muli %sub3A_310, %mul3A_311 : i32
        %add3A_313 = arith.addi %mul3A_2, %mul3A_312 : i32
        %dma_start3A_314 = arith.constant 0 : i32
        %dma_start3A_315 = tpu.memref_slice %arg5[%add3A_313, %dma_start3A_314] : memref<819200x128xf32, #tpu.memory_space<hbm>> -> memref<128x128xf32, #tpu.memory_space<hbm>>
        %dma_start3A_316 = arith.constant 0 : i32
        %dma_start3A_317 = tpu.memref_slice %arg5[%add3A_313, %dma_start3A_316] : memref<819200x128xf32, #tpu.memory_space<hbm>> -> memref<128x128xf32, #tpu.memory_space<hbm>>
        tpu.enqueue_dma source(%arg10 : memref<128x128xf32, #tpu.memory_space<vmem>>) target(%dma_start3A_317 : memref<128x128xf32, #tpu.memory_space<hbm>>) target_semaphore(%arg25 : memref<!tpu.dma_semaphore, #tpu.memory_space<semaphore_mem>>)
      } else {
      }
      %mul3A_169 = arith.constant 5 : i32
      %mul3A_170 = arith.muli %scan3A_103, %mul3A_169 : i32
      %add3A_171 = arith.constant 2 : i32
      %add3A_172 = arith.addi %mul3A_170, %add3A_171 : i32
      %gt3A_173 = arith.constant 0 : i32
      %gt3A_174 = arith.cmpi sgt, %scan3A_103, %gt3A_173 : i32
      %convert_element_type3A_175 = arith.extui %gt3A_174 : i1 to i32
      %cond3A_176 = arith.constant 0 : i32
      %cond3A_177 = arith.cmpi ne, %convert_element_type3A_175, %cond3A_176 : i32
      scf.if %cond3A_177 {
        %sub3A_301 = arith.constant 5 : i32
        %sub3A_302 = arith.subi %add3A_172, %sub3A_301 : i32
        %mul3A_303 = arith.constant 128 : i32
        %mul3A_304 = arith.muli %sub3A_302, %mul3A_303 : i32
        %add3A_305 = arith.addi %mul3A_2, %mul3A_304 : i32
        %dma_wait3A_306 = arith.constant 0 : i32
        %dma_wait3A_307 = tpu.memref_slice %arg5[%add3A_305, %dma_wait3A_306] : memref<819200x128xf32, #tpu.memory_space<hbm>> -> memref<128x128xf32, #tpu.memory_space<hbm>>
        %dma_wait3A_308 = arith.constant 0 : i32
        %dma_wait3A_309 = tpu.memref_slice %arg5[%add3A_305, %dma_wait3A_308] : memref<819200x128xf32, #tpu.memory_space<hbm>> -> memref<128x128xf32, #tpu.memory_space<hbm>>
        tpu.wait_dma2 semaphore(%arg25 : memref<!tpu.dma_semaphore, #tpu.memory_space<semaphore_mem>>) src(%arg10 : memref<128x128xf32, #tpu.memory_space<vmem>>) dst(%dma_wait3A_309 : memref<128x128xf32, #tpu.memory_space<hbm>>)
      } else {
      }
      %mul3A_178 = arith.constant 128 : i32
      %mul3A_179 = arith.muli %add3A_172, %mul3A_178 : i32
      %rem3A_180 = arith.constant 200 : i32
      %rem3A_181 = arith.remsi %mul3A_179, %rem3A_180 : i32
      %dma_start3A_182 = arith.constant 0 : i32
      %dma_start3A_183 = tpu.memref_slice %arg7[%rem3A_181, %dma_start3A_182] : memref<328x128xf32, #tpu.memory_space<vmem_shared>> -> memref<128x128xf32, #tpu.memory_space<vmem_shared>>
      %dma_start3A_184 = arith.constant 0 : i32
      %dma_start3A_185 = tpu.memref_slice %arg7[%rem3A_181, %dma_start3A_184] : memref<328x128xf32, #tpu.memory_space<vmem_shared>> -> memref<128x128xf32, #tpu.memory_space<vmem_shared>>
      tpu.enqueue_dma source(%dma_start3A_185 : memref<128x128xf32, #tpu.memory_space<vmem_shared>>) target(%arg10 : memref<128x128xf32, #tpu.memory_space<vmem>>) target_semaphore(%arg15 : memref<!tpu.dma_semaphore, #tpu.memory_space<semaphore_mem>>)
      %sub3A_186 = arith.constant 1 : i32
      %sub3A_187 = arith.subi %add3A_172, %sub3A_186 : i32
      %mul3A_188 = arith.constant 128 : i32
      %mul3A_189 = arith.muli %sub3A_187, %mul3A_188 : i32
      %rem3A_190 = arith.constant 200 : i32
      %rem3A_191 = arith.remsi %mul3A_189, %rem3A_190 : i32
      %dma_wait3A_192 = arith.constant 0 : i32
      %dma_wait3A_193 = tpu.memref_slice %arg7[%rem3A_191, %dma_wait3A_192] : memref<328x128xf32, #tpu.memory_space<vmem_shared>> -> memref<128x128xf32, #tpu.memory_space<vmem_shared>>
      %dma_wait3A_194 = arith.constant 0 : i32
      %dma_wait3A_195 = tpu.memref_slice %arg7[%rem3A_191, %dma_wait3A_194] : memref<328x128xf32, #tpu.memory_space<vmem_shared>> -> memref<128x128xf32, #tpu.memory_space<vmem_shared>>
      tpu.wait_dma2 semaphore(%arg14 : memref<!tpu.dma_semaphore, #tpu.memory_space<semaphore_mem>>) src(%dma_wait3A_195 : memref<128x128xf32, #tpu.memory_space<vmem_shared>>) dst(%arg9 : memref<128x128xf32, #tpu.memory_space<vmem>>)
      %sub3A_196 = arith.constant 1 : i32
      %sub3A_197 = arith.subi %add3A_172, %sub3A_196 : i32
      %dma_start3A_198 = arith.constant 0 : i32
      %dma_start3A_199 = tpu.memref_slice %arg6[%sub3A_197, %dma_start3A_198] : memref<200x128xi32, #tpu.memory_space<vmem>> -> memref<1x128xi32, #tpu.memory_space<vmem>>
      %dma_start3A_200 = tpu.memref_squeeze %dma_start3A_199 : memref<1x128xi32, #tpu.memory_space<vmem>> -> memref<128xi32, #tpu.memory_space<vmem>>
      %dma_start3A_201 = arith.constant 0 : i32
      %dma_start3A_202 = arith.constant 0 : i32
      %dma_start3A_203 = tpu.memref_slice %arg3[%dma_start3A_201, %dma_start3A_202] : memref<100000x128xf32, #tpu.memory_space<hbm>> -> memref<100000x128xf32, #tpu.memory_space<hbm>>
      tpu.enqueue_indirect_dma source(%dma_start3A_203 : memref<100000x128xf32, #tpu.memory_space<hbm>>) target(%arg9 : memref<128x128xf32, #tpu.memory_space<vmem>>) offsets(%dma_start3A_200 : memref<128xi32, #tpu.memory_space<vmem>>) semaphore(%arg19 : memref<!tpu.dma_semaphore, #tpu.memory_space<semaphore_mem>>) {add = true}
      %gt3A_204 = arith.constant 0 : i32
      %gt3A_205 = arith.cmpi sgt, %scan3A_103, %gt3A_204 : i32
      %convert_element_type3A_206 = arith.extui %gt3A_205 : i1 to i32
      %cond3A_207 = arith.constant 0 : i32
      %cond3A_208 = arith.cmpi ne, %convert_element_type3A_206, %cond3A_207 : i32
      scf.if %cond3A_208 {
        %sub3A_301 = arith.constant 4 : i32
        %sub3A_302 = arith.subi %add3A_172, %sub3A_301 : i32
        %dma_wait3A_303 = arith.constant 0 : i32
        %dma_wait3A_304 = tpu.memref_slice %arg6[%sub3A_302, %dma_wait3A_303] : memref<200x128xi32, #tpu.memory_space<vmem>> -> memref<1x128xi32, #tpu.memory_space<vmem>>
        %dma_wait3A_305 = tpu.memref_squeeze %dma_wait3A_304 : memref<1x128xi32, #tpu.memory_space<vmem>> -> memref<128xi32, #tpu.memory_space<vmem>>
        %dma_wait3A_306 = arith.constant 0 : i32
        %dma_wait3A_307 = arith.constant 0 : i32
        %dma_wait3A_308 = tpu.memref_slice %arg3[%dma_wait3A_306, %dma_wait3A_307] : memref<100000x128xf32, #tpu.memory_space<hbm>> -> memref<100000x128xf32, #tpu.memory_space<hbm>>
        tpu.wait_indirect_dma semaphore(%arg21 : memref<!tpu.dma_semaphore, #tpu.memory_space<semaphore_mem>>) src(%dma_wait3A_308 : memref<100000x128xf32, #tpu.memory_space<hbm>>) dst(%arg11 : memref<128x128xf32, #tpu.memory_space<vmem>>)
        %sub3A_309 = arith.constant 4 : i32
        %sub3A_310 = arith.subi %add3A_172, %sub3A_309 : i32
        %mul3A_311 = arith.constant 128 : i32
        %mul3A_312 = arith.muli %sub3A_310, %mul3A_311 : i32
        %add3A_313 = arith.addi %mul3A_2, %mul3A_312 : i32
        %dma_start3A_314 = arith.constant 0 : i32
        %dma_start3A_315 = tpu.memref_slice %arg5[%add3A_313, %dma_start3A_314] : memref<819200x128xf32, #tpu.memory_space<hbm>> -> memref<128x128xf32, #tpu.memory_space<hbm>>
        %dma_start3A_316 = arith.constant 0 : i32
        %dma_start3A_317 = tpu.memref_slice %arg5[%add3A_313, %dma_start3A_316] : memref<819200x128xf32, #tpu.memory_space<hbm>> -> memref<128x128xf32, #tpu.memory_space<hbm>>
        tpu.enqueue_dma source(%arg11 : memref<128x128xf32, #tpu.memory_space<vmem>>) target(%dma_start3A_317 : memref<128x128xf32, #tpu.memory_space<hbm>>) target_semaphore(%arg26 : memref<!tpu.dma_semaphore, #tpu.memory_space<semaphore_mem>>)
      } else {
      }
      %mul3A_209 = arith.constant 5 : i32
      %mul3A_210 = arith.muli %scan3A_103, %mul3A_209 : i32
      %add3A_211 = arith.constant 3 : i32
      %add3A_212 = arith.addi %mul3A_210, %add3A_211 : i32
      %gt3A_213 = arith.constant 0 : i32
      %gt3A_214 = arith.cmpi sgt, %scan3A_103, %gt3A_213 : i32
      %convert_element_type3A_215 = arith.extui %gt3A_214 : i1 to i32
      %cond3A_216 = arith.constant 0 : i32
      %cond3A_217 = arith.cmpi ne, %convert_element_type3A_215, %cond3A_216 : i32
      scf.if %cond3A_217 {
        %sub3A_301 = arith.constant 5 : i32
        %sub3A_302 = arith.subi %add3A_212, %sub3A_301 : i32
        %mul3A_303 = arith.constant 128 : i32
        %mul3A_304 = arith.muli %sub3A_302, %mul3A_303 : i32
        %add3A_305 = arith.addi %mul3A_2, %mul3A_304 : i32
        %dma_wait3A_306 = arith.constant 0 : i32
        %dma_wait3A_307 = tpu.memref_slice %arg5[%add3A_305, %dma_wait3A_306] : memref<819200x128xf32, #tpu.memory_space<hbm>> -> memref<128x128xf32, #tpu.memory_space<hbm>>
        %dma_wait3A_308 = arith.constant 0 : i32
        %dma_wait3A_309 = tpu.memref_slice %arg5[%add3A_305, %dma_wait3A_308] : memref<819200x128xf32, #tpu.memory_space<hbm>> -> memref<128x128xf32, #tpu.memory_space<hbm>>
        tpu.wait_dma2 semaphore(%arg26 : memref<!tpu.dma_semaphore, #tpu.memory_space<semaphore_mem>>) src(%arg11 : memref<128x128xf32, #tpu.memory_space<vmem>>) dst(%dma_wait3A_309 : memref<128x128xf32, #tpu.memory_space<hbm>>)
      } else {
      }
      %mul3A_218 = arith.constant 128 : i32
      %mul3A_219 = arith.muli %add3A_212, %mul3A_218 : i32
      %rem3A_220 = arith.constant 200 : i32
      %rem3A_221 = arith.remsi %mul3A_219, %rem3A_220 : i32
      %dma_start3A_222 = arith.constant 0 : i32
      %dma_start3A_223 = tpu.memref_slice %arg7[%rem3A_221, %dma_start3A_222] : memref<328x128xf32, #tpu.memory_space<vmem_shared>> -> memref<128x128xf32, #tpu.memory_space<vmem_shared>>
      %dma_start3A_224 = arith.constant 0 : i32
      %dma_start3A_225 = tpu.memref_slice %arg7[%rem3A_221, %dma_start3A_224] : memref<328x128xf32, #tpu.memory_space<vmem_shared>> -> memref<128x128xf32, #tpu.memory_space<vmem_shared>>
      tpu.enqueue_dma source(%dma_start3A_225 : memref<128x128xf32, #tpu.memory_space<vmem_shared>>) target(%arg11 : memref<128x128xf32, #tpu.memory_space<vmem>>) target_semaphore(%arg16 : memref<!tpu.dma_semaphore, #tpu.memory_space<semaphore_mem>>)
      %sub3A_226 = arith.constant 1 : i32
      %sub3A_227 = arith.subi %add3A_212, %sub3A_226 : i32
      %mul3A_228 = arith.constant 128 : i32
      %mul3A_229 = arith.muli %sub3A_227, %mul3A_228 : i32
      %rem3A_230 = arith.constant 200 : i32
      %rem3A_231 = arith.remsi %mul3A_229, %rem3A_230 : i32
      %dma_wait3A_232 = arith.constant 0 : i32
      %dma_wait3A_233 = tpu.memref_slice %arg7[%rem3A_231, %dma_wait3A_232] : memref<328x128xf32, #tpu.memory_space<vmem_shared>> -> memref<128x128xf32, #tpu.memory_space<vmem_shared>>
      %dma_wait3A_234 = arith.constant 0 : i32
      %dma_wait3A_235 = tpu.memref_slice %arg7[%rem3A_231, %dma_wait3A_234] : memref<328x128xf32, #tpu.memory_space<vmem_shared>> -> memref<128x128xf32, #tpu.memory_space<vmem_shared>>
      tpu.wait_dma2 semaphore(%arg15 : memref<!tpu.dma_semaphore, #tpu.memory_space<semaphore_mem>>) src(%dma_wait3A_235 : memref<128x128xf32, #tpu.memory_space<vmem_shared>>) dst(%arg10 : memref<128x128xf32, #tpu.memory_space<vmem>>)
      %sub3A_236 = arith.constant 1 : i32
      %sub3A_237 = arith.subi %add3A_212, %sub3A_236 : i32
      %dma_start3A_238 = arith.constant 0 : i32
      %dma_start3A_239 = tpu.memref_slice %arg6[%sub3A_237, %dma_start3A_238] : memref<200x128xi32, #tpu.memory_space<vmem>> -> memref<1x128xi32, #tpu.memory_space<vmem>>
      %dma_start3A_240 = tpu.memref_squeeze %dma_start3A_239 : memref<1x128xi32, #tpu.memory_space<vmem>> -> memref<128xi32, #tpu.memory_space<vmem>>
      %dma_start3A_241 = arith.constant 0 : i32
      %dma_start3A_242 = arith.constant 0 : i32
      %dma_start3A_243 = tpu.memref_slice %arg3[%dma_start3A_241, %dma_start3A_242] : memref<100000x128xf32, #tpu.memory_space<hbm>> -> memref<100000x128xf32, #tpu.memory_space<hbm>>
      tpu.enqueue_indirect_dma source(%dma_start3A_243 : memref<100000x128xf32, #tpu.memory_space<hbm>>) target(%arg10 : memref<128x128xf32, #tpu.memory_space<vmem>>) offsets(%dma_start3A_240 : memref<128xi32, #tpu.memory_space<vmem>>) semaphore(%arg20 : memref<!tpu.dma_semaphore, #tpu.memory_space<semaphore_mem>>) {add = true}
      %gt3A_244 = arith.constant 0 : i32
      %gt3A_245 = arith.cmpi sgt, %scan3A_103, %gt3A_244 : i32
      %convert_element_type3A_246 = arith.extui %gt3A_245 : i1 to i32
      %cond3A_247 = arith.constant 0 : i32
      %cond3A_248 = arith.cmpi ne, %convert_element_type3A_246, %cond3A_247 : i32
      scf.if %cond3A_248 {
        %sub3A_301 = arith.constant 4 : i32
        %sub3A_302 = arith.subi %add3A_212, %sub3A_301 : i32
        %dma_wait3A_303 = arith.constant 0 : i32
        %dma_wait3A_304 = tpu.memref_slice %arg6[%sub3A_302, %dma_wait3A_303] : memref<200x128xi32, #tpu.memory_space<vmem>> -> memref<1x128xi32, #tpu.memory_space<vmem>>
        %dma_wait3A_305 = tpu.memref_squeeze %dma_wait3A_304 : memref<1x128xi32, #tpu.memory_space<vmem>> -> memref<128xi32, #tpu.memory_space<vmem>>
        %dma_wait3A_306 = arith.constant 0 : i32
        %dma_wait3A_307 = arith.constant 0 : i32
        %dma_wait3A_308 = tpu.memref_slice %arg3[%dma_wait3A_306, %dma_wait3A_307] : memref<100000x128xf32, #tpu.memory_space<hbm>> -> memref<100000x128xf32, #tpu.memory_space<hbm>>
        tpu.wait_indirect_dma semaphore(%arg22 : memref<!tpu.dma_semaphore, #tpu.memory_space<semaphore_mem>>) src(%dma_wait3A_308 : memref<100000x128xf32, #tpu.memory_space<hbm>>) dst(%arg12 : memref<128x128xf32, #tpu.memory_space<vmem>>)
        %sub3A_309 = arith.constant 4 : i32
        %sub3A_310 = arith.subi %add3A_212, %sub3A_309 : i32
        %mul3A_311 = arith.constant 128 : i32
        %mul3A_312 = arith.muli %sub3A_310, %mul3A_311 : i32
        %add3A_313 = arith.addi %mul3A_2, %mul3A_312 : i32
        %dma_start3A_314 = arith.constant 0 : i32
        %dma_start3A_315 = tpu.memref_slice %arg5[%add3A_313, %dma_start3A_314] : memref<819200x128xf32, #tpu.memory_space<hbm>> -> memref<128x128xf32, #tpu.memory_space<hbm>>
        %dma_start3A_316 = arith.constant 0 : i32
        %dma_start3A_317 = tpu.memref_slice %arg5[%add3A_313, %dma_start3A_316] : memref<819200x128xf32, #tpu.memory_space<hbm>> -> memref<128x128xf32, #tpu.memory_space<hbm>>
        tpu.enqueue_dma source(%arg12 : memref<128x128xf32, #tpu.memory_space<vmem>>) target(%dma_start3A_317 : memref<128x128xf32, #tpu.memory_space<hbm>>) target_semaphore(%arg27 : memref<!tpu.dma_semaphore, #tpu.memory_space<semaphore_mem>>)
      } else {
      }
      %mul3A_249 = arith.constant 5 : i32
      %mul3A_250 = arith.muli %scan3A_103, %mul3A_249 : i32
      %add3A_251 = arith.constant 4 : i32
      %add3A_252 = arith.addi %mul3A_250, %add3A_251 : i32
      %gt3A_253 = arith.constant 0 : i32
      %gt3A_254 = arith.cmpi sgt, %scan3A_103, %gt3A_253 : i32
      %convert_element_type3A_255 = arith.extui %gt3A_254 : i1 to i32
      %cond3A_256 = arith.constant 0 : i32
      %cond3A_257 = arith.cmpi ne, %convert_element_type3A_255, %cond3A_256 : i32
      scf.if %cond3A_257 {
        %sub3A_301 = arith.constant 5 : i32
        %sub3A_302 = arith.subi %add3A_252, %sub3A_301 : i32
        %mul3A_303 = arith.constant 128 : i32
        %mul3A_304 = arith.muli %sub3A_302, %mul3A_303 : i32
        %add3A_305 = arith.addi %mul3A_2, %mul3A_304 : i32
        %dma_wait3A_306 = arith.constant 0 : i32
        %dma_wait3A_307 = tpu.memref_slice %arg5[%add3A_305, %dma_wait3A_306] : memref<819200x128xf32, #tpu.memory_space<hbm>> -> memref<128x128xf32, #tpu.memory_space<hbm>>
        %dma_wait3A_308 = arith.constant 0 : i32
        %dma_wait3A_309 = tpu.memref_slice %arg5[%add3A_305, %dma_wait3A_308] : memref<819200x128xf32, #tpu.memory_space<hbm>> -> memref<128x128xf32, #tpu.memory_space<hbm>>
        tpu.wait_dma2 semaphore(%arg27 : memref<!tpu.dma_semaphore, #tpu.memory_space<semaphore_mem>>) src(%arg12 : memref<128x128xf32, #tpu.memory_space<vmem>>) dst(%dma_wait3A_309 : memref<128x128xf32, #tpu.memory_space<hbm>>)
      } else {
      }
      %mul3A_258 = arith.constant 128 : i32
      %mul3A_259 = arith.muli %add3A_252, %mul3A_258 : i32
      %rem3A_260 = arith.constant 200 : i32
      %rem3A_261 = arith.remsi %mul3A_259, %rem3A_260 : i32
      %dma_start3A_262 = arith.constant 0 : i32
      %dma_start3A_263 = tpu.memref_slice %arg7[%rem3A_261, %dma_start3A_262] : memref<328x128xf32, #tpu.memory_space<vmem_shared>> -> memref<128x128xf32, #tpu.memory_space<vmem_shared>>
      %dma_start3A_264 = arith.constant 0 : i32
      %dma_start3A_265 = tpu.memref_slice %arg7[%rem3A_261, %dma_start3A_264] : memref<328x128xf32, #tpu.memory_space<vmem_shared>> -> memref<128x128xf32, #tpu.memory_space<vmem_shared>>
      tpu.enqueue_dma source(%dma_start3A_265 : memref<128x128xf32, #tpu.memory_space<vmem_shared>>) target(%arg12 : memref<128x128xf32, #tpu.memory_space<vmem>>) target_semaphore(%arg17 : memref<!tpu.dma_semaphore, #tpu.memory_space<semaphore_mem>>)
      %sub3A_266 = arith.constant 1 : i32
      %sub3A_267 = arith.subi %add3A_252, %sub3A_266 : i32
      %mul3A_268 = arith.constant 128 : i32
      %mul3A_269 = arith.muli %sub3A_267, %mul3A_268 : i32
      %rem3A_270 = arith.constant 200 : i32
      %rem3A_271 = arith.remsi %mul3A_269, %rem3A_270 : i32
      %dma_wait3A_272 = arith.constant 0 : i32
      %dma_wait3A_273 = tpu.memref_slice %arg7[%rem3A_271, %dma_wait3A_272] : memref<328x128xf32, #tpu.memory_space<vmem_shared>> -> memref<128x128xf32, #tpu.memory_space<vmem_shared>>
      %dma_wait3A_274 = arith.constant 0 : i32
      %dma_wait3A_275 = tpu.memref_slice %arg7[%rem3A_271, %dma_wait3A_274] : memref<328x128xf32, #tpu.memory_space<vmem_shared>> -> memref<128x128xf32, #tpu.memory_space<vmem_shared>>
      tpu.wait_dma2 semaphore(%arg16 : memref<!tpu.dma_semaphore, #tpu.memory_space<semaphore_mem>>) src(%dma_wait3A_275 : memref<128x128xf32, #tpu.memory_space<vmem_shared>>) dst(%arg11 : memref<128x128xf32, #tpu.memory_space<vmem>>)
      %sub3A_276 = arith.constant 1 : i32
      %sub3A_277 = arith.subi %add3A_252, %sub3A_276 : i32
      %dma_start3A_278 = arith.constant 0 : i32
      %dma_start3A_279 = tpu.memref_slice %arg6[%sub3A_277, %dma_start3A_278] : memref<200x128xi32, #tpu.memory_space<vmem>> -> memref<1x128xi32, #tpu.memory_space<vmem>>
      %dma_start3A_280 = tpu.memref_squeeze %dma_start3A_279 : memref<1x128xi32, #tpu.memory_space<vmem>> -> memref<128xi32, #tpu.memory_space<vmem>>
      %dma_start3A_281 = arith.constant 0 : i32
      %dma_start3A_282 = arith.constant 0 : i32
      %dma_start3A_283 = tpu.memref_slice %arg3[%dma_start3A_281, %dma_start3A_282] : memref<100000x128xf32, #tpu.memory_space<hbm>> -> memref<100000x128xf32, #tpu.memory_space<hbm>>
      tpu.enqueue_indirect_dma source(%dma_start3A_283 : memref<100000x128xf32, #tpu.memory_space<hbm>>) target(%arg11 : memref<128x128xf32, #tpu.memory_space<vmem>>) offsets(%dma_start3A_280 : memref<128xi32, #tpu.memory_space<vmem>>) semaphore(%arg21 : memref<!tpu.dma_semaphore, #tpu.memory_space<semaphore_mem>>) {add = true}
      %sub3A_284 = arith.constant 4 : i32
      %sub3A_285 = arith.subi %add3A_252, %sub3A_284 : i32
      %dma_wait3A_286 = arith.constant 0 : i32
      %dma_wait3A_287 = tpu.memref_slice %arg6[%sub3A_285, %dma_wait3A_286] : memref<200x128xi32, #tpu.memory_space<vmem>> -> memref<1x128xi32, #tpu.memory_space<vmem>>
      %dma_wait3A_288 = tpu.memref_squeeze %dma_wait3A_287 : memref<1x128xi32, #tpu.memory_space<vmem>> -> memref<128xi32, #tpu.memory_space<vmem>>
      %dma_wait3A_289 = arith.constant 0 : i32
      %dma_wait3A_290 = arith.constant 0 : i32
      %dma_wait3A_291 = tpu.memref_slice %arg3[%dma_wait3A_289, %dma_wait3A_290] : memref<100000x128xf32, #tpu.memory_space<hbm>> -> memref<100000x128xf32, #tpu.memory_space<hbm>>
      tpu.wait_indirect_dma semaphore(%arg18 : memref<!tpu.dma_semaphore, #tpu.memory_space<semaphore_mem>>) src(%dma_wait3A_291 : memref<100000x128xf32, #tpu.memory_space<hbm>>) dst(%arg8 : memref<128x128xf32, #tpu.memory_space<vmem>>)
      %sub3A_292 = arith.constant 4 : i32
      %sub3A_293 = arith.subi %add3A_252, %sub3A_292 : i32
      %mul3A_294 = arith.constant 128 : i32
      %mul3A_295 = arith.muli %sub3A_293, %mul3A_294 : i32
      %add3A_296 = arith.addi %mul3A_2, %mul3A_295 : i32
      %dma_start3A_297 = arith.constant 0 : i32
      %dma_start3A_298 = tpu.memref_slice %arg5[%add3A_296, %dma_start3A_297] : memref<819200x128xf32, #tpu.memory_space<hbm>> -> memref<128x128xf32, #tpu.memory_space<hbm>>
      %dma_start3A_299 = arith.constant 0 : i32
      %dma_start3A_300 = tpu.memref_slice %arg5[%add3A_296, %dma_start3A_299] : memref<819200x128xf32, #tpu.memory_space<hbm>> -> memref<128x128xf32, #tpu.memory_space<hbm>>
      tpu.enqueue_dma source(%arg8 : memref<128x128xf32, #tpu.memory_space<vmem>>) target(%dma_start3A_300 : memref<128x128xf32, #tpu.memory_space<hbm>>) target_semaphore(%arg23 : memref<!tpu.dma_semaphore, #tpu.memory_space<semaphore_mem>>)
    }
    %scan3A_9 = arith.constant 40 : i32
    %rem3A = arith.constant 25472 : i32
    %rem3A_10 = arith.constant 200 : i32
    %rem3A_11 = arith.remsi %rem3A, %rem3A_10 : i32
    %dma_wait3A = arith.constant 0 : i32
    %dma_wait3A_12 = tpu.memref_slice %arg7[%rem3A_11, %dma_wait3A] : memref<328x128xf32, #tpu.memory_space<vmem_shared>> -> memref<128x128xf32, #tpu.memory_space<vmem_shared>>
    %dma_wait3A_13 = arith.constant 0 : i32
    %dma_wait3A_14 = tpu.memref_slice %arg7[%rem3A_11, %dma_wait3A_13] : memref<328x128xf32, #tpu.memory_space<vmem_shared>> -> memref<128x128xf32, #tpu.memory_space<vmem_shared>>
    tpu.wait_dma2 semaphore(%arg17 : memref<!tpu.dma_semaphore, #tpu.memory_space<semaphore_mem>>) src(%dma_wait3A_14 : memref<128x128xf32, #tpu.memory_space<vmem_shared>>) dst(%arg12 : memref<128x128xf32, #tpu.memory_space<vmem>>)
    %dma_start3A = arith.constant 199 : i32
    %dma_start3A_15 = arith.constant 0 : i32
    %dma_start3A_16 = tpu.memref_slice %arg6[%dma_start3A, %dma_start3A_15] : memref<200x128xi32, #tpu.memory_space<vmem>> -> memref<1x128xi32, #tpu.memory_space<vmem>>
    %dma_start3A_17 = tpu.memref_squeeze %dma_start3A_16 : memref<1x128xi32, #tpu.memory_space<vmem>> -> memref<128xi32, #tpu.memory_space<vmem>>
    %dma_start3A_18 = arith.constant 0 : i32
    %dma_start3A_19 = arith.constant 0 : i32
    %dma_start3A_20 = tpu.memref_slice %arg3[%dma_start3A_18, %dma_start3A_19] : memref<100000x128xf32, #tpu.memory_space<hbm>> -> memref<100000x128xf32, #tpu.memory_space<hbm>>
    tpu.enqueue_indirect_dma source(%dma_start3A_20 : memref<100000x128xf32, #tpu.memory_space<hbm>>) target(%arg12 : memref<128x128xf32, #tpu.memory_space<vmem>>) offsets(%dma_start3A_17 : memref<128xi32, #tpu.memory_space<vmem>>) semaphore(%arg22 : memref<!tpu.dma_semaphore, #tpu.memory_space<semaphore_mem>>) {add = true}
    %dma_wait3A_21 = arith.constant 196 : i32
    %dma_wait3A_22 = arith.constant 0 : i32
    %dma_wait3A_23 = tpu.memref_slice %arg6[%dma_wait3A_21, %dma_wait3A_22] : memref<200x128xi32, #tpu.memory_space<vmem>> -> memref<1x128xi32, #tpu.memory_space<vmem>>
    %dma_wait3A_24 = tpu.memref_squeeze %dma_wait3A_23 : memref<1x128xi32, #tpu.memory_space<vmem>> -> memref<128xi32, #tpu.memory_space<vmem>>
    %dma_wait3A_25 = arith.constant 0 : i32
    %dma_wait3A_26 = arith.constant 0 : i32
    %dma_wait3A_27 = tpu.memref_slice %arg3[%dma_wait3A_25, %dma_wait3A_26] : memref<100000x128xf32, #tpu.memory_space<hbm>> -> memref<100000x128xf32, #tpu.memory_space<hbm>>
    tpu.wait_indirect_dma semaphore(%arg19 : memref<!tpu.dma_semaphore, #tpu.memory_space<semaphore_mem>>) src(%dma_wait3A_27 : memref<100000x128xf32, #tpu.memory_space<hbm>>) dst(%arg9 : memref<128x128xf32, #tpu.memory_space<vmem>>)
    %add3A_28 = arith.constant 25088 : i32
    %add3A_29 = arith.addi %mul3A_2, %add3A_28 : i32
    %dma_start3A_30 = arith.constant 0 : i32
    %dma_start3A_31 = tpu.memref_slice %arg5[%add3A_29, %dma_start3A_30] : memref<819200x128xf32, #tpu.memory_space<hbm>> -> memref<128x128xf32, #tpu.memory_space<hbm>>
    %dma_start3A_32 = arith.constant 0 : i32
    %dma_start3A_33 = tpu.memref_slice %arg5[%add3A_29, %dma_start3A_32] : memref<819200x128xf32, #tpu.memory_space<hbm>> -> memref<128x128xf32, #tpu.memory_space<hbm>>
    tpu.enqueue_dma source(%arg9 : memref<128x128xf32, #tpu.memory_space<vmem>>) target(%dma_start3A_33 : memref<128x128xf32, #tpu.memory_space<hbm>>) target_semaphore(%arg24 : memref<!tpu.dma_semaphore, #tpu.memory_space<semaphore_mem>>)
    %dma_wait3A_34 = arith.constant 197 : i32
    %dma_wait3A_35 = arith.constant 0 : i32
    %dma_wait3A_36 = tpu.memref_slice %arg6[%dma_wait3A_34, %dma_wait3A_35] : memref<200x128xi32, #tpu.memory_space<vmem>> -> memref<1x128xi32, #tpu.memory_space<vmem>>
    %dma_wait3A_37 = tpu.memref_squeeze %dma_wait3A_36 : memref<1x128xi32, #tpu.memory_space<vmem>> -> memref<128xi32, #tpu.memory_space<vmem>>
    %dma_wait3A_38 = arith.constant 0 : i32
    %dma_wait3A_39 = arith.constant 0 : i32
    %dma_wait3A_40 = tpu.memref_slice %arg3[%dma_wait3A_38, %dma_wait3A_39] : memref<100000x128xf32, #tpu.memory_space<hbm>> -> memref<100000x128xf32, #tpu.memory_space<hbm>>
    tpu.wait_indirect_dma semaphore(%arg20 : memref<!tpu.dma_semaphore, #tpu.memory_space<semaphore_mem>>) src(%dma_wait3A_40 : memref<100000x128xf32, #tpu.memory_space<hbm>>) dst(%arg10 : memref<128x128xf32, #tpu.memory_space<vmem>>)
    %add3A_41 = arith.constant 25216 : i32
    %add3A_42 = arith.addi %mul3A_2, %add3A_41 : i32
    %dma_start3A_43 = arith.constant 0 : i32
    %dma_start3A_44 = tpu.memref_slice %arg5[%add3A_42, %dma_start3A_43] : memref<819200x128xf32, #tpu.memory_space<hbm>> -> memref<128x128xf32, #tpu.memory_space<hbm>>
    %dma_start3A_45 = arith.constant 0 : i32
    %dma_start3A_46 = tpu.memref_slice %arg5[%add3A_42, %dma_start3A_45] : memref<819200x128xf32, #tpu.memory_space<hbm>> -> memref<128x128xf32, #tpu.memory_space<hbm>>
    tpu.enqueue_dma source(%arg10 : memref<128x128xf32, #tpu.memory_space<vmem>>) target(%dma_start3A_46 : memref<128x128xf32, #tpu.memory_space<hbm>>) target_semaphore(%arg25 : memref<!tpu.dma_semaphore, #tpu.memory_space<semaphore_mem>>)
    %dma_wait3A_47 = arith.constant 198 : i32
    %dma_wait3A_48 = arith.constant 0 : i32
    %dma_wait3A_49 = tpu.memref_slice %arg6[%dma_wait3A_47, %dma_wait3A_48] : memref<200x128xi32, #tpu.memory_space<vmem>> -> memref<1x128xi32, #tpu.memory_space<vmem>>
    %dma_wait3A_50 = tpu.memref_squeeze %dma_wait3A_49 : memref<1x128xi32, #tpu.memory_space<vmem>> -> memref<128xi32, #tpu.memory_space<vmem>>
    %dma_wait3A_51 = arith.constant 0 : i32
    %dma_wait3A_52 = arith.constant 0 : i32
    %dma_wait3A_53 = tpu.memref_slice %arg3[%dma_wait3A_51, %dma_wait3A_52] : memref<100000x128xf32, #tpu.memory_space<hbm>> -> memref<100000x128xf32, #tpu.memory_space<hbm>>
    tpu.wait_indirect_dma semaphore(%arg21 : memref<!tpu.dma_semaphore, #tpu.memory_space<semaphore_mem>>) src(%dma_wait3A_53 : memref<100000x128xf32, #tpu.memory_space<hbm>>) dst(%arg11 : memref<128x128xf32, #tpu.memory_space<vmem>>)
    %add3A_54 = arith.constant 25344 : i32
    %add3A_55 = arith.addi %mul3A_2, %add3A_54 : i32
    %dma_start3A_56 = arith.constant 0 : i32
    %dma_start3A_57 = tpu.memref_slice %arg5[%add3A_55, %dma_start3A_56] : memref<819200x128xf32, #tpu.memory_space<hbm>> -> memref<128x128xf32, #tpu.memory_space<hbm>>
    %dma_start3A_58 = arith.constant 0 : i32
    %dma_start3A_59 = tpu.memref_slice %arg5[%add3A_55, %dma_start3A_58] : memref<819200x128xf32, #tpu.memory_space<hbm>> -> memref<128x128xf32, #tpu.memory_space<hbm>>
    tpu.enqueue_dma source(%arg11 : memref<128x128xf32, #tpu.memory_space<vmem>>) target(%dma_start3A_59 : memref<128x128xf32, #tpu.memory_space<hbm>>) target_semaphore(%arg26 : memref<!tpu.dma_semaphore, #tpu.memory_space<semaphore_mem>>)
    %dma_wait3A_60 = arith.constant 199 : i32
    %dma_wait3A_61 = arith.constant 0 : i32
    %dma_wait3A_62 = tpu.memref_slice %arg6[%dma_wait3A_60, %dma_wait3A_61] : memref<200x128xi32, #tpu.memory_space<vmem>> -> memref<1x128xi32, #tpu.memory_space<vmem>>
    %dma_wait3A_63 = tpu.memref_squeeze %dma_wait3A_62 : memref<1x128xi32, #tpu.memory_space<vmem>> -> memref<128xi32, #tpu.memory_space<vmem>>
    %dma_wait3A_64 = arith.constant 0 : i32
    %dma_wait3A_65 = arith.constant 0 : i32
    %dma_wait3A_66 = tpu.memref_slice %arg3[%dma_wait3A_64, %dma_wait3A_65] : memref<100000x128xf32, #tpu.memory_space<hbm>> -> memref<100000x128xf32, #tpu.memory_space<hbm>>
    tpu.wait_indirect_dma semaphore(%arg22 : memref<!tpu.dma_semaphore, #tpu.memory_space<semaphore_mem>>) src(%dma_wait3A_66 : memref<100000x128xf32, #tpu.memory_space<hbm>>) dst(%arg12 : memref<128x128xf32, #tpu.memory_space<vmem>>)
    %add3A_67 = arith.constant 25472 : i32
    %add3A_68 = arith.addi %mul3A_2, %add3A_67 : i32
    %dma_start3A_69 = arith.constant 0 : i32
    %dma_start3A_70 = tpu.memref_slice %arg5[%add3A_68, %dma_start3A_69] : memref<819200x128xf32, #tpu.memory_space<hbm>> -> memref<128x128xf32, #tpu.memory_space<hbm>>
    %dma_start3A_71 = arith.constant 0 : i32
    %dma_start3A_72 = tpu.memref_slice %arg5[%add3A_68, %dma_start3A_71] : memref<819200x128xf32, #tpu.memory_space<hbm>> -> memref<128x128xf32, #tpu.memory_space<hbm>>
    tpu.enqueue_dma source(%arg12 : memref<128x128xf32, #tpu.memory_space<vmem>>) target(%dma_start3A_72 : memref<128x128xf32, #tpu.memory_space<hbm>>) target_semaphore(%arg27 : memref<!tpu.dma_semaphore, #tpu.memory_space<semaphore_mem>>)
    %add3A_73 = arith.constant 24960 : i32
    %add3A_74 = arith.addi %mul3A_2, %add3A_73 : i32
    %dma_wait3A_75 = arith.constant 0 : i32
    %dma_wait3A_76 = tpu.memref_slice %arg5[%add3A_74, %dma_wait3A_75] : memref<819200x128xf32, #tpu.memory_space<hbm>> -> memref<128x128xf32, #tpu.memory_space<hbm>>
    %dma_wait3A_77 = arith.constant 0 : i32
    %dma_wait3A_78 = tpu.memref_slice %arg5[%add3A_74, %dma_wait3A_77] : memref<819200x128xf32, #tpu.memory_space<hbm>> -> memref<128x128xf32, #tpu.memory_space<hbm>>
    tpu.wait_dma2 semaphore(%arg23 : memref<!tpu.dma_semaphore, #tpu.memory_space<semaphore_mem>>) src(%arg8 : memref<128x128xf32, #tpu.memory_space<vmem>>) dst(%dma_wait3A_78 : memref<128x128xf32, #tpu.memory_space<hbm>>)
    %add3A_79 = arith.constant 25088 : i32
    %add3A_80 = arith.addi %mul3A_2, %add3A_79 : i32
    %dma_wait3A_81 = arith.constant 0 : i32
    %dma_wait3A_82 = tpu.memref_slice %arg5[%add3A_80, %dma_wait3A_81] : memref<819200x128xf32, #tpu.memory_space<hbm>> -> memref<128x128xf32, #tpu.memory_space<hbm>>
    %dma_wait3A_83 = arith.constant 0 : i32
    %dma_wait3A_84 = tpu.memref_slice %arg5[%add3A_80, %dma_wait3A_83] : memref<819200x128xf32, #tpu.memory_space<hbm>> -> memref<128x128xf32, #tpu.memory_space<hbm>>
    tpu.wait_dma2 semaphore(%arg24 : memref<!tpu.dma_semaphore, #tpu.memory_space<semaphore_mem>>) src(%arg9 : memref<128x128xf32, #tpu.memory_space<vmem>>) dst(%dma_wait3A_84 : memref<128x128xf32, #tpu.memory_space<hbm>>)
    %add3A_85 = arith.constant 25216 : i32
    %add3A_86 = arith.addi %mul3A_2, %add3A_85 : i32
    %dma_wait3A_87 = arith.constant 0 : i32
    %dma_wait3A_88 = tpu.memref_slice %arg5[%add3A_86, %dma_wait3A_87] : memref<819200x128xf32, #tpu.memory_space<hbm>> -> memref<128x128xf32, #tpu.memory_space<hbm>>
    %dma_wait3A_89 = arith.constant 0 : i32
    %dma_wait3A_90 = tpu.memref_slice %arg5[%add3A_86, %dma_wait3A_89] : memref<819200x128xf32, #tpu.memory_space<hbm>> -> memref<128x128xf32, #tpu.memory_space<hbm>>
    tpu.wait_dma2 semaphore(%arg25 : memref<!tpu.dma_semaphore, #tpu.memory_space<semaphore_mem>>) src(%arg10 : memref<128x128xf32, #tpu.memory_space<vmem>>) dst(%dma_wait3A_90 : memref<128x128xf32, #tpu.memory_space<hbm>>)
    %add3A_91 = arith.constant 25344 : i32
    %add3A_92 = arith.addi %mul3A_2, %add3A_91 : i32
    %dma_wait3A_93 = arith.constant 0 : i32
    %dma_wait3A_94 = tpu.memref_slice %arg5[%add3A_92, %dma_wait3A_93] : memref<819200x128xf32, #tpu.memory_space<hbm>> -> memref<128x128xf32, #tpu.memory_space<hbm>>
    %dma_wait3A_95 = arith.constant 0 : i32
    %dma_wait3A_96 = tpu.memref_slice %arg5[%add3A_92, %dma_wait3A_95] : memref<819200x128xf32, #tpu.memory_space<hbm>> -> memref<128x128xf32, #tpu.memory_space<hbm>>
    tpu.wait_dma2 semaphore(%arg26 : memref<!tpu.dma_semaphore, #tpu.memory_space<semaphore_mem>>) src(%arg11 : memref<128x128xf32, #tpu.memory_space<vmem>>) dst(%dma_wait3A_96 : memref<128x128xf32, #tpu.memory_space<hbm>>)
    %add3A_97 = arith.constant 25472 : i32
    %add3A_98 = arith.addi %mul3A_2, %add3A_97 : i32
    %dma_wait3A_99 = arith.constant 0 : i32
    %dma_wait3A_100 = tpu.memref_slice %arg5[%add3A_98, %dma_wait3A_99] : memref<819200x128xf32, #tpu.memory_space<hbm>> -> memref<128x128xf32, #tpu.memory_space<hbm>>
    %dma_wait3A_101 = arith.constant 0 : i32
    %dma_wait3A_102 = tpu.memref_slice %arg5[%add3A_98, %dma_wait3A_101] : memref<819200x128xf32, #tpu.memory_space<hbm>> -> memref<128x128xf32, #tpu.memory_space<hbm>>
    tpu.wait_dma2 semaphore(%arg27 : memref<!tpu.dma_semaphore, #tpu.memory_space<semaphore_mem>>) src(%arg12 : memref<128x128xf32, #tpu.memory_space<vmem>>) dst(%dma_wait3A_102 : memref<128x128xf32, #tpu.memory_space<hbm>>)
    return
  }
}

</mosaic_0001>

<sc_bundles>
// kernel: kernel.3.cloned.1.call-start
scs
__scs_entry_jumppad:
0x0: {  	(pc) =	sbr.rel $0x88, $3  }
0x1: {  	(tag) =	ssettag $0x0;
	lr =	simm.s32 $0x1  }
0x2: {  	[smem:$0x3F9F] =	sst lr;
	_ =	strace $0xD0000000  }
0x3: {  	_ = 	snop  }
0x4: {  	_ = 	snop  }
0x5: {  	_ = 	snop  }
0x6: {  	_ = 	snop  }
0x7: {  	_ = 	snop  }
__scs_overlays_trampoline_lowered:
0x8: {  	[smem:$0x3FAE] =	sst s0  }
0x9: {  	[smem:$0x3FAF] =	sst s1  }
0xa: {  	[smem:$0x3FB0] =	sst s2  }
0xb: {  	[smem:$0x3FB1] =	sst s3  }
0xc: {  	[smem:$0x3FB2] =	sst s4  }
0xd: {  	[smem:$0x3FB3] =	sst s5  }
0xe: {  	[smem:$0x3FB4] =	sst s6  }
0xf: {  	[smem:$0x3FB5] =	sst s7  }
0x10: {  	[smem:$0x3FB6] =	sst s8  }
0x11: {  	[smem:$0x3FB7] =	sst s9;
	s0 =	simm.s32 @!p0 $0x0  }
0x12: {  	s1 =	sld [smem:$0x3F9D];
	s0 =	simm.s32 @p0 $0x1  }
0x13: {  	[smem:$0x3FB8] =	sst s0;
	s0 =	simm.s32 @!p1 $0x0  }
0x14: {  	s2 =	sld [smem:$0x3F9C];
	s0 =	simm.s32 @p1 $0x1  }
0x15: {  	[smem:$0x3FB9] =	sst s0;
	s0 =	simm.s32 @!p2 $0x0  }
0x16: {  	s3 =	sld [smem:$0x3FDB];
	s0 =	simm.s32 @p2 $0x1  }
0x17: {  	s4 =	simm.s32 $0x1BF5;
	[smem:$0x3FBB] =	sst s0  }
0x18: {  	s0 =	sld [smem:$0x3F9E];
	_ =	swait.ge [sflag:s4], $0x0  }
0x19: {  	s7 =	sld [smem:$0x3F9F]  }
0x1a: {  	s8 =	sadd.s32 $0xFFFFE003, lr  }
0x1b: {  	s9 =	sadd.s32 $0xFFFFFEF7, lr;
	s5 =	simm.s32 $0xFFFFFFFF;
	p2 =	slt.u32 s8, $0xFFFFF086  }
0x1c: {  	p1 =	slt.u32 s9, $0xF7A;
	s5 =	simm.s32 @!p2 $0x0  }
0x1d: {  	s5 =	simm.s32 @p1 $0x1;
	p0 =	seq.s32 s7, s2  }
0x1e: {  	s7 =	smul.u32 @!p0 $0xF7A, s2;
	p2 =	seq.s32 @!p0 s5, $0x0  }
0x1f: {  	s9 =	smul.u32 $0xF7A, s1;
	s8 =	simm.s32 @!p0 $0x1BF5;
	p2 =	por !p2, p0  }
0x20: {  	[sflag:s8] =	ssyncset.s32 @!p0 $0xFFFFF086;
	s6 =	sadd.s32 @!p0 s3, s7;
	s7 =	simm.s32 @!p0 $0x108  }
0x21: {  	s3 =	sadd.s32 s3, s9;
	s6 =	sadd.s32 @!p0 $0x88, s6;
	s7 =	simm.s32 @p2 $0x1082  }
0x22: {  	[simem:s7], [sflag:s8] =	dma.local @!p0 [hbm:s6], $0xF7A  }
0x23: {  	s9 =	sor.u32 $0xD0000000, s2;
	s6 =	simm.s32 $0x108;
	_ =	swait.ge @!p0 [sflag:s8], $0x0  }
0x24: {  	s3 =	sadd.s32 $0x88, s3;
	s6 =	simm.s32 @!p1 $0x1082;
	[sflag:s4] =	ssyncset.s32 $0xFFFFF086  }
0x25: {  	[simem:s6], [sflag:s4] =	dma.local [hbm:s3], $0xF7A  }
0x26: {  	[smem:$0x3F9F] =	sst s1;
	(tag) =	ssettag s2;
	_ =	strace s9  }
0x27: {  	s1 =	sld [smem:$0x3FAF]  }
0x28: {  	s2 =	sld [smem:$0x3FB0]  }
0x29: {  	s4 =	sld [smem:$0x3FB2]  }
0x2a: {  	p0 =	seq.s32 s5, $0x0;
	s5 =	sld [smem:$0x3FB3]  }
0x2b: {  	s6 =	sld [smem:$0x3FB4]  }
0x2c: {  	s7 =	sld [smem:$0x3FB5]  }
0x2d: {  	s3 =	simm.s32 $0x108;
	s8 =	sld [smem:$0x3FB6]  }
0x2e: {  	s3 =	simm.s32 @!p0 $0x1082;
	s9 =	sld [smem:$0x3FB7]  }
0x2f: {  	lr =	sadd.s32 s0, s3;
	s0 =	sld [smem:$0x3FAE]  }
0x30: {  	s3 =	sld [smem:$0x3FB1]  }
0x31: {  	[smem:$0x3FBA] =	sst s10  }
0x32: {  	s10 =	sld [smem:$0x3FB8];
	_ =	sdelay $0x3  }
0x33: {  	p0 =	seq.s32 s10, $0x1;
	s10 =	sld [smem:$0x3FBA];
	_ =	sdelay $0x3  }
0x34: {  	[smem:$0x3FBA] =	sst s10  }
0x35: {  	s10 =	sld [smem:$0x3FB9];
	_ =	sdelay $0x3  }
0x36: {  	p1 =	seq.s32 s10, $0x1;
	s10 =	sld [smem:$0x3FBA];
	_ =	sdelay $0x3  }
0x37: {  	[smem:$0x3FBA] =	sst s10  }
0x38: {  	s10 =	sld [smem:$0x3FBB]  }
0x39: {  	_ = 	snop;
	(pc) =	sbr.ind lr, $3  }
0x3a: {  	_ = 	snop  }
0x3b: {  	_ = 	snop  }
0x3c: {  	p2 =	seq.s32 s10, $0x1;
	s10 =	sld [smem:$0x3FBA]  }
0x3d: {  	_ =	shalt  }
0x3e: {  	_ =	shalt  }
0x3f: {  	_ =	shalt  }
0x40: {  	_ =	shalt  }
0x41: {  	_ =	shalt  }
0x42: {  	_ =	shalt  }
0x43: {  	_ =	shalt  }
0x44: {  	_ =	shalt  }
0x45: {  	_ =	shalt  }
0x46: {  	_ =	shalt  }
0x47: {  	_ =	shalt  }
0x48: {  	_ =	shalt  }
0x49: {  	_ =	shalt  }
0x4a: {  	_ =	shalt  }
0x4b: {  	_ =	shalt  }
0x4c: {  	_ =	shalt  }
0x4d: {  	_ =	shalt  }
0x4e: {  	_ =	shalt  }
0x4f: {  	_ =	shalt  }
0x50: {  	_ =	shalt  }
0x51: {  	_ =	shalt  }
0x52: {  	_ =	shalt  }
0x53: {  	_ =	shalt  }
0x54: {  	_ =	shalt  }
0x55: {  	_ =	shalt  }
0x56: {  	_ =	shalt  }
0x57: {  	_ =	shalt  }
0x58: {  	_ =	shalt  }
0x59: {  	_ =	shalt  }
0x5a: {  	_ =	shalt  }
0x5b: {  	_ =	shalt  }
0x5c: {  	_ =	shalt  }
0x5d: {  	_ =	shalt  }
0x5e: {  	_ =	shalt  }
0x5f: {  	_ =	shalt  }
0x60: {  	_ =	shalt  }
0x61: {  	_ =	shalt  }
0x62: {  	_ =	shalt  }
0x63: {  	_ =	shalt  }
0x64: {  	_ =	shalt  }
0x65: {  	_ =	shalt  }
0x66: {  	_ =	shalt  }
0x67: {  	_ =	shalt  }
0x68: {  	_ =	shalt  }
0x69: {  	_ =	shalt  }
0x6a: {  	_ =	shalt  }
0x6b: {  	_ =	shalt  }
0x6c: {  	_ =	shalt  }
0x6d: {  	_ =	shalt  }
0x6e: {  	_ =	shalt  }
0x6f: {  	_ =	shalt  }
0x70: {  	_ =	shalt  }
0x71: {  	_ =	shalt  }
0x72: {  	_ =	shalt  }
0x73: {  	_ =	shalt  }
0x74: {  	_ =	shalt  }
0x75: {  	_ =	shalt  }
0x76: {  	_ =	shalt  }
0x77: {  	_ =	shalt  }
0x78: {  	_ =	shalt  }
0x79: {  	_ =	shalt  }
0x7a: {  	_ =	shalt  }
0x7b: {  	_ =	shalt  }
0x7c: {  	_ =	shalt  }
0x7d: {  	_ =	shalt  }
0x7e: {  	_ =	shalt  }
0x7f: {  	_ =	shalt  }
0x80: {  	_ =	shalt  }
0x81: {  	_ =	shalt  }
0x82: {  	_ =	shalt  }
0x83: {  	_ =	shalt  }
0x84: {  	_ =	shalt  }
0x85: {  	_ =	shalt  }
0x86: {  	_ =	shalt  }
0x87: {  	_ =	shalt  }
.Lfunc_end0:
.L_simem_size_0:
called_computation_lowered:
.L_overlay_start_0:
0x88: {  	s2 =	sld [smem:$0x3FD9]  }
0x89: {  	s3 =	sld [smem:$0x3FFE];
	_ =	sdelay $0x1  }
0x8a: {  	s1 =	srdreg.scid  }
0x8b: {  	s0 =	sand.u32 $0x1, s1  }
0x8c: {  	s17 =	sshll.u32 s0, $0xA;
	s2 =	sadd.s32 s3, s2  }
0x8d: {  	s2 =	sadd.s32 s2, s17  }
0x8e: {  	[smem:$0x3FC6] =	sst s2  }
0x8f: {  	_ = 	snop  }
0x90: {  	s2 =	sld [smem:$0x3FC8]  }
0x91: {  	s18 =	sld [smem:$0x3FD0];
	(tm) =	ssettm $0x1  }
0x92: {  	s4 =	sld [smem:$0x3FFB];
	_ =	sdelay $0x3  }
0x93: {  	_ =	strace s4  }
0x94: {  	s4 =	sld [smem:$0x3FFC];
	_ =	sdelay $0x3  }
0x95: {  	_ =	strace s4  }
0x96: {  	s4 =	sld [smem:$0x3FFD];
	_ =	sdelay $0x3  }
0x97: {  	_ =	strace s4  }
0x98: {  	_ =	strace $0x8FFFFFFF  }
0x99: {  	s19 =	sld [smem:$0x3FDB];
	_ =	sdelay $0x1  }
0x9a: {  	s5 =	simm.s32 $_scs_section_size  }
0x9b: {  	s6 =	simm.s32 $_size__tile_overlayer_lowered;
	s7 =	simm.s32 $_tile_overlayer_lowered  }
0x9c: {  	s22 =	simm.s32 $0x1BFF;
	s21 =	sshll.u32 s7, $0x1;
	s4 =	sadd.s32 s5, s19  }
0x9d: {  	s8 =	simm.s32 $0x0;
	s20 =	sshll.u32 s6, $0x1;
	s6 =	sadd.s32 s21, s4  }
0x9e: {  	[timem:s8], [sflag:s22] =	dma.local [hbm:s6], s20  }
0x9f: {  	_ =	swait.ge [sflag:s22], s20  }
0xa0: {  	s5 =	ssub.s32 $0x0, s20;
	[sflag:s22] =	ssyncset.done $0x0  }
0xa1: {  	[sflag:s22] =	ssyncadd.s32 s5;
	_ =	sdelay $0x1  }
0xa2: {  	s23 =	simm.s32 $0x1B8B  }
0xa3: {  	_ =	swait.ge [sflag:s23], $0x1  }
0xa4: {  	[sflag:s23] =	ssyncset.done $0x0  }
0xa5: {  	s25 =	simm.s32 $0x1B8E;
	s24 =	sld [smem:$0x3FFE];
	[sflag:s23] =	ssyncadd.s32 $0xFFFFFFFF  }
0xa6: {  	s26 =	simm.s32 $execute0_lowered;
	[smem:$0x3FD2] =	sst s25  }
0xa7: {  	s6 =	sshll.u32 s26, $0x1;
	_ =	strace $0x80000046;
	[dreg:$0x1] =	wrdreg $0xFFFFFFFF  }
0xa8: {  	s28 =	simm.s32 $_size_execute0_lowered;
	s4 =	sadd.s32 s4, s6;
	[dreg:$0x0] =	wrdreg $0x0  }
0xa9: {  	s6 =	sshll.u32 s28, $0x1;
	[dreg:$0x2] =	wrdreg s4  }
0xaa: {  	[dreg:$0x3] =	wrdreg s6  }
0xab: {  	[dreg:$0x4] =	wrdreg $0xC0  }
0xac: {  	_ =	task [dreg:s8], $0x5FFFF  }
0xad: {  	[dreg:$0x1] =	wrdreg $0xFFFFFFFF  }
0xae: {  	[dreg:$0x0] =	wrdreg $0x60  }
0xaf: {  	[dreg:$0x2] =	wrdreg s24  }
0xb0: {  	[dreg:$0x3] =	wrdreg s2  }
0xb1: {  	[dreg:$0x4] =	wrdreg s18  }
0xb2: {  	[dreg:$0x5] =	wrdreg $0x64000  }
0xb3: {  	[dreg:$0x6] =	wrdreg $0x9  }
0xb4: {  	_ =	task.clear_ibuf [dreg:s8], $0x7FFFF;
	_ =	strace $0x90000046  }
0xb5: {  	s29 =	simm.s32 $0x9;
	_ =	strace $0x80000048  }
0xb6: {  	_ =	swait.ge [sflag:s29], $0x1  }
0xb7: {  	[sflag:s29] =	ssyncadd.s32 $0xFFFFFFFF  }
0xb8: {  	_ =	strace $0x90000048  }
0xb9: {  	_ =	sfence  }
0xba: {  	s30 =	sld [smem:$0x0];
	_ =	sdelay $0x2  }
0xbb: {  	s31 =	sshll.u32 s1, $0xD;
	s1 =	sshrl.u32 s1, $0x2  }
0xbc: {  	s3 =	sand.u32 $0x4000, s31;
	s1 =	sadd.s32 s1, s30  }
0xbd: {  	s0 =	sor.u32 s3, s0;
	s1 =	sshll.u32 s1, $0x11  }
0xbe: {  	s0 =	sor.u32 s1, s0  }
0xbf: {  	s0 =	sadd.s32 $0x8F2B, s0  }
0xc0: {  	[sflag:s0] =	ssyncadd.remote.s32 $0x1  }
0xc1: {  	_ =	sfence.sel $0xFFFF  }
0xc2: {  	[dreg:$0x0] =	wrdreg $0xFFFFFFFF;
	(pc) =	sbr.abs _section_cstart, $3  }
0xc3: {  	[dreg:$0x1] =	wrdreg $0xFFFFFFFF  }
0xc4: {  	_ =	task.clear_ibuf [dreg:s8], $0x2FFFF;
	_ =	strace $0x9FFFFFFF  }
0xc5: {  	(tm) =	ssettm $0x7FFFFFFF  }
tec
execute0_lowered:
.L_overlay_start_1:
0x0: {  	(tag) =	ssettag $0x1  }
0x1: {  	s1 =	rddreg [dreg:$0x0]  }
0x2: {  	s0 =	rddreg [dreg:$0x1];
	s3 =	srdreg.scid  }
0x3: {  	s6 =	stileid.u32;
	s2 =	rddreg [dreg:$0x2];
	s19 =	simm.s32 $0x0  }
0x4: {  	s16 =	simm.s32 $0xAE40;
	s17 =	simm.s32 $0x1;
	s18 =	simm.s32 $0x80  }
0x5: {  	s13 =	simm.s32 $0x16E40;
	s7 =	sand.u32 $0x1, s3;
	s3 =	rddreg [dreg:$0x3]  }
0x6: {  	s4 =	sshll.u32 s6, $0x1;
	[smem:$0x7FF] =	sst s19;
	s24 =	smul.u32 $0xC8000, s6  }
0x7: {  	p0 =	sne.s32 s6, $0x0;
	s19 =	simm.s32 $0x6E40;
	s8 =	sor.u32 s7, s4  }
0x8: {  	s6 =	simm.s32 $0x0;
	s20 =	ssub.s32 $0x2, s7;
	s5 =	smul.u32 $0x6400, s8  }
0x9: {  	_ =	strace $0x80000047;
	s7 =	smul.u32 $0x64000, s7;
	s10 =	sshrl.u32 s20, $0x1  }
0xa: {  	s8 =	smul.u32 $0x320000, s8;
	s29 =	sadd.s32 s24, s2;
	s11 =	sadd.s32 $0xFFFFFE80, s5  }
0xb: {  	s9 =	sshrl.u32 s5, $0x3;
	s21 =	sadd.s32 $0xFFFFFF00, s5;
	[dreg:$0x5] =	wrdreg s11  }
0xc: {  	s8 =	sshrl.u32 s8, $0x3;
	s23 =	sadd.s32 $0xFFFFFF80, s5;
	[dreg:$0x6] =	wrdreg s21  }
0xd: {  	s9 =	sadd.s32 s9, s1;
	s1 =	sadd.s32 $0x19600, s1;
	[dreg:$0x7] =	wrdreg s23  }
0xe: {  	s8 =	sadd.s32 s2, s8;
	[dreg:$0x8] =	wrdreg s1;
	s22 =	sadd.s32 $0x600, s9  }
0xf: {  	s24 =	simm.s32 $0x0;
	s25 =	sadd.s32 $0x62000, s8;
	[dreg:$0x9] =	wrdreg s22  }
0x10: {  	s31 =	sadd.s32 s7, s29;
	s26 =	sadd.s32 $0x62800, s8;
	[dreg:$0xa] =	wrdreg s25  }
0x11: {  	s21 =	simm.s32 $0x2;
	s28 =	sadd.s32 $0x63000, s8;
	[dreg:$0xb] =	wrdreg s26  }
0x12: {  	s1 =	ssub.s32 s20, s10;
	s30 =	sadd.s32 $0x63800, s8;
	[dreg:$0xc] =	wrdreg s28  }
0x13: {  	s23 =	simm.s32 $0x3;
	[dreg:$0xd] =	wrdreg s30;
	s1 =	smax.u32 s1, $0x1  }
0x14: {  	s20 =	simm.s32 $0xEE40;
	[dreg:$0xe] =	wrdreg s1;
	s1 =	sadd.s32 $0xFFFFE000, s31  }
0x15: {  	s22 =	simm.s32 $0x12E40;
	[dreg:$0xf] =	wrdreg s1;
	s1 =	sshrl.u32 @!p0 s3, $0x3  }
0x16: {  	s25 =	simm.s32 $0x4;
	s26 =	simm.s32 $0x6;
	[dreg:$0x10] =	wrdreg s1  }
.LBB2_1:
0x17: {  	[dreg:$0x11] =	wrdreg s6;
	s1 =	simm.s32 $0x0  }
0x18: {  	s4 =	rddreg [dreg:$0x9];
	p1 =	por $0x0, $0x0;
	s10 =	simm.s32 $0x10  }
0x19: {  	[tilespmem:s1], [sflag:$0x10] =	stream.linear.gather [hbm4b:s4+s1], $0x6400, $0x38;
	[tilespmem:$0x1AE40] =	vst v63  }
0x1a: {  	s6 =	simm.s32 @!p0 $0x1C10;
	s1 =	sand.u32 @p1 $0xFFF8, s1;
	_ =	swait.ge [sflag:s10], $0x6400  }
0x1b: {  	s1 =	sshrl.u32 @p1 s1, $0x3;
	[sflag:s10] =	ssyncset.done $0x0;
	s4 =	rddreg [dreg:$0x8]  }
0x1c: {  	s1 =	smul.u32 @p1 $0x147B, s1;
	s7 =	rddreg [dreg:$0x10];
	[sflag:s10] =	ssyncadd.s32 $0xFFFF9C00  }
0x1d: {  	[spmem:s7], [sflag:s6] =	dma.local @!p0 [hbm:s4], $0x1480  }
0x1e: {  	s6 =	simm.s32 @!p0 $0x10;
	s1 =	sshrl.u32 @p1 s1, $0x11  }
0x1f: {  	_ =	swait.ge @!p0 [sflag:s6], $0x1480;
	s1 =	smul.u32 @p1 $0xC8, s1  }
0x20: {  	s9 =	simm.s32 @p1 $0x6E40;
	[sflag:s6] =	ssyncset.done @!p0 $0x0  }
0x21: {  	s14 =	simm.s32 @p1 $0x7;
	[sflag:s6] =	ssyncadd.s32 @!p0 $0xFFFFEB80;
	s1 =	ssub.s32 @p1 $0x0, s1  }
0x22: {  	s6 =	simm.s32 @p1 $0xB;
	[bflag:$0x0] =	sbarrier.arrive $0xFFFF;
	s1 =	sand.u32 @p1 $0xFFFF, s1  }
0x23: {  	s7 =	simm.s32 $0x0;
	s1 =	sshll.u32 @p1 s1, $0x7;
	_ =	swait.ge @p1 [sflag:s6], $0x4000  }
0x24: {  	s7 =	simm.s32 @!p1 $0x0;
	s8 =	sadd.s32 @p1 s1, s3;
	[sflag:s6] =	ssyncset.done @p1 $0x0  }
0x25: {  	s1 =	sadd.s32 $0x80, s7;
	[sflag:s6] =	ssyncadd.s32 @p1 $0xFFFFC000;
	s6 =	simm.s32 @p1 $0x5  }
0x26: {  	[tilespmem:s9], [sflag:$0x1] =	stream.linear.gather @p1 [spmem:s8], $0x4000, $0x38;
	[tilespmem:$0x1AE40] =	vst v63  }
0x27: {  	s15 =	simm.s32 @p1 $0x80;
	s12 =	sand.u32 $0xFFF8, s1;
	_ =	swait.ge @p1 [sflag:s6], $0x4000  }
0x28: {  	s8 =	simm.s32 @p1 $0xFFFFFF80;
	s11 =	sshrl.u32 s12, $0x3;
	[sflag:s6] =	ssyncset.done @p1 $0x0  }
0x29: {  	s12 =	simm.s32 @p1 $0x16E40;
	s9 =	smul.u32 $0x147B, s11;
	[sflag:s6] =	ssyncadd.s32 @p1 $0xFFFFC000  }
0x2a: {  	[tilespmem:s12], [sflag:$0xA] =	stream.indirect.gather.add.f32 @p1 [hbm:s0], $0x80, s8, s15, $0xb8;
	[tilespmem:$0x1AE40] =	vst v63  }
0x2b: {  	s12 =	sshrl.u32 s9, $0x11;
	s8 =	simm.s32 @p1 $0x0;
	_ =	swait.ge @p1 [sflag:s14], $0x4000  }
0x2c: {  	s9 =	simm.s32 @p1 $0xAE40;
	s6 =	smul.u32 $0xC8, s12;
	[sflag:s14] =	ssyncset.done @p1 $0x0  }
0x2d: {  	s12 =	simm.s32 @p1 $0xC;
	s4 =	rddreg [dreg:$0xf];
	[sflag:s14] =	ssyncadd.s32 @p1 $0xFFFFC000  }
0x2e: {  	[hbm4b:s4+s8] =	stream.linear.scatter @p1 [tilespmem:s9], [sflag:$0xC], $0x4000, $0x38;
	[tilespmem:$0x1AE40] =	vst v63  }
0x2f: {  	s6 =	ssub.s32 s1, s6;
	_ =	swait.ge @p1 [sflag:s12], $0x4000  }
0x30: {  	s6 =	sand.u32 $0xFFFF, s6;
	[sflag:s12] =	ssyncset.done @p1 $0x0  }
0x31: {  	s8 =	simm.s32 @!p1 $0x6E40;
	s6 =	sshll.u32 s6, $0x7;
	[sflag:s12] =	ssyncadd.s32 @p1 $0xFFFFC000  }
0x32: {  	[tilespmem:s8], [sflag:$0x1] =	stream.linear.gather @!p1 [spmem:s3], $0x4000, $0x38;
	[tilespmem:$0x1AE40] =	vst v63  }
0x33: {  	s6 =	sadd.s32 s6, s3;
	s8 =	simm.s32 $0x0  }
0x34: {  	[tilespmem:s16], [sflag:$0x2] =	stream.linear.gather [spmem:s6], $0x4000, $0x38;
	[tilespmem:$0x1AE40] =	vst v63  }
0x35: {  	s8 =	simm.s32 @!p1 $0x0;
	s6 =	sadd.s32 $0x100, s7;
	_ =	swait.ge [sflag:s17], $0x4000  }
0x36: {  	p1 =	por $0x1, $0x1;
	s15 =	sand.u32 $0xFFF8, s6;
	[sflag:s17] =	ssyncset.done $0x0  }
0x37: {  	s8 =	sshra.s32 s8, $0x2;
	s10 =	sshrl.u32 s15, $0x3;
	[sflag:s17] =	ssyncadd.s32 $0xFFFFC000  }
0x38: {  	[tilespmem:s19], [sflag:$0x6] =	stream.indirect.gather.add.f32 [hbm:s0], $0x80, s8, s18, $0xb8;
	[tilespmem:$0x1AE40] =	vst v63  }
0x39: {  	s9 =	simm.s32 @!p1 $0x8;
	s8 =	smul.u32 $0x147B, s10  }
0x3a: {  	_ =	swait.ge @!p1 [sflag:s9], $0x4000  }
0x3b: {  	s14 =	simm.s32 @!p1 $0xD;
	s12 =	rddreg [dreg:$0x5];
	s8 =	sshrl.u32 s8, $0x11  }
0x3c: {  	[sflag:s9] =	ssyncset.done @!p1 $0x0;
	s12 =	sadd.s32 @!p1 s7, s12;
	s11 =	smul.u32 $0xC8, s8  }
0x3d: {  	[sflag:s9] =	ssyncadd.s32 @!p1 $0xFFFFC000;
	s9 =	simm.s32 @!p1 $0xEE40;
	s8 =	sshll.u32 @!p1 s12, $0x4  }
0x3e: {  	s12 =	sadd.s32 @!p1 s2, s8;
	s8 =	simm.s32 @!p1 $0x0;
	s15 =	ssub.s32 s6, s11  }
0x3f: {  	[hbm4b:s12+s8] =	stream.linear.scatter @!p1 [tilespmem:s9], [sflag:$0xD], $0x4000, $0x38;
	[tilespmem:$0x1AE40] =	vst v63  }
0x40: {  	s12 =	sand.u32 $0xFFFF, s15;
	_ =	swait.ge @!p1 [sflag:s14], $0x4000  }
0x41: {  	s9 =	sshll.u32 s12, $0x7;
	[sflag:s14] =	ssyncset.done @!p1 $0x0  }
0x42: {  	s9 =	sadd.s32 s9, s3;
	[sflag:s14] =	ssyncadd.s32 @!p1 $0xFFFFC000  }
0x43: {  	[tilespmem:s20], [sflag:$0x3] =	stream.linear.gather [spmem:s9], $0x4000, $0x38;
	[tilespmem:$0x1AE40] =	vst v63  }
0x44: {  	_ =	swait.ge [sflag:s21], $0x4000  }
0x45: {  	s29 =	sadd.s32 $0x180, s7;
	[sflag:s21] =	ssyncset.done $0x0  }
0x46: {  	s15 =	sand.u32 $0xFFF8, s29;
	s9 =	simm.s32 @!p1 $0x9;
	[sflag:s21] =	ssyncadd.s32 $0xFFFFC000  }
0x47: {  	[tilespmem:s16], [sflag:$0x7] =	stream.indirect.gather.add.f32 [hbm:s0], $0x80, s1, s18, $0xb8;
	[tilespmem:$0x1AE40] =	vst v63  }
0x48: {  	s1 =	sshrl.u32 s15, $0x3;
	_ =	swait.ge @!p1 [sflag:s9], $0x4000  }
0x49: {  	s1 =	smul.u32 $0x147B, s1;
	s12 =	rddreg [dreg:$0x6]  }
0x4a: {  	p3 =	por $0x1, $0x1;
	[sflag:s9] =	ssyncset.done @!p1 $0x0;
	s12 =	sadd.s32 @!p1 s7, s12  }
0x4b: {  	s1 =	sshrl.u32 s1, $0x11;
	[sflag:s9] =	ssyncadd.s32 @!p1 $0xFFFFC000;
	s12 =	sshll.u32 @!p1 s12, $0x4  }
0x4c: {  	s1 =	smul.u32 $0xC8, s1;
	s9 =	sadd.s32 @!p1 s2, s12;
	s12 =	simm.s32 @!p1 $0x12E40  }
0x4d: {  	[hbm4b:s9+s8] =	stream.linear.scatter @!p1 [tilespmem:s12], [sflag:$0xE], $0x4000, $0x38;
	[tilespmem:$0x1AE40] =	vst v63  }
0x4e: {  	s31 =	simm.s32 $0xA00;
	s12 =	simm.s32 @!p1 $0xE;
	s1 =	ssub.s32 s29, s1  }
0x4f: {  	s10 =	sadd.s32 $0x200, s7;
	_ =	swait.ge @!p1 [sflag:s12], $0x4000;
	s1 =	sand.u32 $0xFFFF, s1  }
0x50: {  	s11 =	sand.u32 $0xFFF8, s10;
	[sflag:s12] =	ssyncset.done @!p1 $0x0;
	s1 =	sshll.u32 s1, $0x7  }
0x51: {  	s14 =	sshrl.u32 s11, $0x3;
	[sflag:s12] =	ssyncadd.s32 @!p1 $0xFFFFC000;
	s1 =	sadd.s32 s1, s3  }
0x52: {  	[tilespmem:s22], [sflag:$0x4] =	stream.linear.gather [spmem:s1], $0x4000, $0x38;
	[tilespmem:$0x1AE40] =	vst v63  }
0x53: {  	s28 =	simm.s32 $0xA00;
	s14 =	smul.u32 $0x147B, s14;
	_ =	swait.ge [sflag:s23], $0x4000  }
0x54: {  	s28 =	simm.s32 @!p3 $0x0;
	s11 =	sadd.s32 s5, s7;
	[sflag:s23] =	ssyncset.done $0x0  }
0x55: {  	s15 =	simm.s32 @!p1 $0xA;
	s12 =	sshrl.u32 s14, $0x11;
	[sflag:s23] =	ssyncadd.s32 $0xFFFFC000  }
0x56: {  	[tilespmem:s20], [sflag:$0x8] =	stream.indirect.gather.add.f32 [hbm:s0], $0x80, s6, s18, $0xb8;
	[tilespmem:$0x1AE40] =	vst v63  }
0x57: {  	s14 =	smul.u32 $0xC8, s12;
	s1 =	simm.s32 $0x280;
	_ =	swait.ge @!p1 [sflag:s15], $0x4000  }
0x58: {  	s30 =	sshll.u32 s11, $0x4;
	s12 =	sand.u32 @p3 $0xFFF8, s1;
	s9 =	rddreg [dreg:$0x7]  }
0x59: {  	s10 =	ssub.s32 s10, s14;
	s14 =	simm.s32 $0x500;
	s7 =	sadd.s32 @!p1 s7, s9  }
0x5a: {  	s6 =	sand.u32 $0xFFFF, s10;
	[sflag:s15] =	ssyncset.done @!p1 $0x0;
	s7 =	sshll.u32 @!p1 s7, $0x4  }
0x5b: {  	[sflag:s15] =	ssyncadd.s32 @!p1 $0xFFFFC000;
	s9 =	simm.s32 @!p1 $0x16E40;
	s7 =	sadd.s32 @!p1 s2, s7  }
0x5c: {  	[hbm4b:s7+s8] =	stream.linear.scatter @!p1 [tilespmem:s9], [sflag:$0xF], $0x4000, $0x38;
	[tilespmem:$0x1AE40] =	vst v63  }
0x5d: {  	s6 =	sshll.u32 s6, $0x7;
	s15 =	sadd.s32 $0x2800, s4;
	s8 =	sshrl.u32 @p3 s12, $0x3  }
0x5e: {  	s7 =	simm.s32 @p3 $0x200;
	s12 =	simm.s32 @!p1 $0xF;
	s8 =	smul.u32 @p3 $0x147B, s8  }
.LBB2_2:
0x5f: {  	_ =	swait.ge @!p1 [sflag:s12], $0x4000  }
0x60: {  	s9 =	smov.u32 s14;
	[sflag:s12] =	ssyncset.done @!p1 $0x0  }
0x61: {  	s6 =	sadd.s32 s6, s3;
	s8 =	sshrl.u32 @p3 s8, $0x11;
	[sflag:s12] =	ssyncadd.s32 @!p1 $0xFFFFC000  }
0x62: {  	[tilespmem:s13], [sflag:$0x5] =	stream.linear.gather [spmem:s6], $0x4000, $0x38;
	[tilespmem:$0x1AE40] =	vst v63  }
0x63: {  	s8 =	smul.u32 @p3 $0xC8, s8;
	s12 =	smov.u32 s1;
	_ =	swait.ge [sflag:s25], $0x4000  }
0x64: {  	s30 =	sadd.s32 s2, s30;
	s12 =	simm.s32 @!p3 $0x0;
	[sflag:s25] =	ssyncset.done $0x0  }
0x65: {  	s6 =	ssub.s32 @p3 s1, s8;
	s8 =	sadd.s32 $0x80, s12;
	[sflag:s25] =	ssyncadd.s32 $0xFFFFC000  }
0x66: {  	[tilespmem:s22], [sflag:$0x9] =	stream.indirect.gather.add.f32 [hbm:s0], $0x80, s29, s18, $0xb8;
	[tilespmem:$0x1AE40] =	vst v63  }
0x67: {  	s10 =	sadd.s32 $0x200, s12;
	s6 =	sand.u32 @p3 $0xFFFF, s6;
	_ =	swait.ge [sflag:s26], $0x4000  }
0x68: {  	s4 =	sand.u32 $0xFFF8, s8;
	s11 =	sand.u32 $0xFFF8, s10;
	[sflag:s26] =	ssyncset.done $0x0  }
0x69: {  	s6 =	sshll.u32 @p3 s6, $0x7;
	s29 =	simm.s32 @p3 $0xB;
	[sflag:s26] =	ssyncadd.s32 $0xFFFFC000  }
0x6a: {  	[hbm4b:s30+s24] =	stream.linear.scatter [tilespmem:s19], [sflag:$0xB], $0x4000, $0x38;
	[tilespmem:$0x1AE40] =	vst v63  }
0x6b: {  	s13 =	sshrl.u32 s4, $0x3;
	s11 =	sshrl.u32 s11, $0x3;
	_ =	swait.ge @p3 [sflag:s29], $0x4000  }
0x6c: {  	s6 =	sadd.s32 @p3 s6, s3;
	s13 =	smul.u32 $0x147B, s13;
	[sflag:s29] =	ssyncset.done @p3 $0x0  }
0x6d: {  	s30 =	simm.s32 @p3 $0x6E40;
	[sflag:s29] =	ssyncadd.s32 @p3 $0xFFFFC000;
	s29 =	simm.s32 @p3 $0x5  }
0x6e: {  	[tilespmem:s30], [sflag:$0x1] =	stream.linear.gather @p3 [spmem:s6], $0x4000, $0x38;
	[tilespmem:$0x1AE40] =	vst v63  }
0x6f: {  	s11 =	smul.u32 $0x147B, s11;
	s13 =	sshrl.u32 s13, $0x11;
	_ =	swait.ge @p3 [sflag:s29], $0x4000  }
0x70: {  	s4 =	simm.s32 @p3 $0x80;
	s13 =	smul.u32 $0xC8, s13;
	[sflag:s29] =	ssyncset.done @p3 $0x0  }
0x71: {  	s6 =	simm.s32 @p3 $0x16E40;
	s30 =	simm.s32 @p3 $0x7;
	[sflag:s29] =	ssyncadd.s32 @p3 $0xFFFFC000  }
0x72: {  	[tilespmem:s6], [sflag:$0xA] =	stream.indirect.gather.add.f32 @p3 [hbm:s0], $0x80, s7, s4, $0xb8;
	[tilespmem:$0x1AE40] =	vst v63  }
0x73: {  	p1 =	seq.s32 s1, $0x0;
	s11 =	sshrl.u32 s11, $0x11;
	_ =	swait.ge @p3 [sflag:s30], $0x4000  }
0x74: {  	s13 =	ssub.s32 s8, s13;
	s4 =	simm.s32 @p3 $0x0;
	[sflag:s30] =	ssyncset.done @p3 $0x0  }
0x75: {  	s6 =	simm.s32 @p3 $0xAE40;
	s7 =	simm.s32 @p3 $0xC;
	[sflag:s30] =	ssyncadd.s32 @p3 $0xFFFFC000  }
0x76: {  	[hbm4b:s15+s4] =	stream.linear.scatter @p3 [tilespmem:s6], [sflag:$0xC], $0x4000, $0x38;
	[tilespmem:$0x1AE40] =	vst v63  }
0x77: {  	s13 =	sand.u32 $0xFFFF, s13;
	s4 =	simm.s32 @!p3 $0x6E40;
	_ =	swait.ge @p3 [sflag:s7], $0x4000  }
0x78: {  	s6 =	sshll.u32 s13, $0x7;
	s13 =	sadd.s32 s5, s12;
	[sflag:s7] =	ssyncset.done @p3 $0x0  }
0x79: {  	s30 =	sshll.u32 s13, $0x4;
	[sflag:s7] =	ssyncadd.s32 @p3 $0xFFFFC000;
	s7 =	smul.u32 $0xC8, s11  }
0x7a: {  	[tilespmem:s4], [sflag:$0x1] =	stream.linear.gather @!p3 [spmem:s3], $0x4000, $0x38;
	[tilespmem:$0x1AE40] =	vst v63  }
0x7b: {  	s11 =	sadd.s32 s6, s3;
	s13 =	ssub.s32 s10, s7;
	s7 =	sadd.s32 $0x100, s12  }
0x7c: {  	[tilespmem:s16], [sflag:$0x2] =	stream.linear.gather [spmem:s11], $0x4000, $0x38;
	[tilespmem:$0x1AE40] =	vst v63  }
0x7d: {  	s6 =	sshra.s32 s28, $0x2;
	s11 =	sand.u32 $0xFFF8, s7;
	_ =	swait.ge [sflag:s17], $0x4000  }
0x7e: {  	s1 =	sand.u32 $0xFFFF, s13;
	s13 =	sshrl.u32 s11, $0x3;
	[sflag:s17] =	ssyncset.done $0x0  }
0x7f: {  	s10 =	simm.s32 @!p1 $0x8;
	s4 =	smul.u32 $0x147B, s13;
	[sflag:s17] =	ssyncadd.s32 $0xFFFFC000  }
0x80: {  	[tilespmem:s19], [sflag:$0x6] =	stream.indirect.gather.add.f32 [hbm:s0], $0x80, s6, s18, $0xb8;
	[tilespmem:$0x1AE40] =	vst v63  }
0x81: {  	s13 =	simm.s32 @!p1 $0xD;
	s6 =	sshll.u32 s1, $0x7;
	_ =	swait.ge @!p1 [sflag:s10], $0x4000  }
0x82: {  	s1 =	smov.u32 s9;
	s4 =	sshrl.u32 s4, $0x11;
	s11 =	rddreg [dreg:$0x5]  }
0x83: {  	s4 =	smul.u32 $0xC8, s4;
	[sflag:s10] =	ssyncset.done @!p1 $0x0;
	s9 =	sadd.s32 @!p1 s12, s11  }
0x84: {  	[sflag:s10] =	ssyncadd.s32 @!p1 $0xFFFFC000;
	s10 =	simm.s32 @!p1 $0xEE40;
	s9 =	sshll.u32 @!p1 s9, $0x4  }
0x85: {  	s4 =	ssub.s32 s7, s4;
	s11 =	sadd.s32 @!p1 s2, s9;
	s9 =	simm.s32 @!p1 $0x0  }
0x86: {  	[hbm4b:s11+s9] =	stream.linear.scatter @!p1 [tilespmem:s10], [sflag:$0xD], $0x4000, $0x38;
	[tilespmem:$0x1AE40] =	vst v63  }
0x87: {  	s4 =	sand.u32 $0xFFFF, s4;
	_ =	swait.ge @!p1 [sflag:s13], $0x4000  }
0x88: {  	s4 =	sshll.u32 s4, $0x7;
	[sflag:s13] =	ssyncset.done @!p1 $0x0  }
0x89: {  	s4 =	sadd.s32 s4, s3;
	[sflag:s13] =	ssyncadd.s32 @!p1 $0xFFFFC000  }
0x8a: {  	[tilespmem:s20], [sflag:$0x3] =	stream.linear.gather [spmem:s4], $0x4000, $0x38;
	[tilespmem:$0x1AE40] =	vst v63  }
0x8b: {  	_ =	swait.ge [sflag:s21], $0x4000  }
0x8c: {  	s29 =	sadd.s32 $0x180, s12;
	[sflag:s21] =	ssyncset.done $0x0  }
0x8d: {  	s11 =	sand.u32 $0xFFF8, s29;
	s4 =	simm.s32 @!p1 $0x9;
	[sflag:s21] =	ssyncadd.s32 $0xFFFFC000  }
0x8e: {  	[tilespmem:s16], [sflag:$0x7] =	stream.indirect.gather.add.f32 [hbm:s0], $0x80, s8, s18, $0xb8;
	[tilespmem:$0x1AE40] =	vst v63  }
0x8f: {  	s8 =	sshrl.u32 s11, $0x3;
	_ =	swait.ge @!p1 [sflag:s4], $0x4000  }
0x90: {  	s8 =	smul.u32 $0x147B, s8;
	s10 =	rddreg [dreg:$0x6]  }
0x91: {  	[sflag:s4] =	ssyncset.done @!p1 $0x0;
	s10 =	sadd.s32 @!p1 s12, s10  }
0x92: {  	s8 =	sshrl.u32 s8, $0x11;
	[sflag:s4] =	ssyncadd.s32 @!p1 $0xFFFFC000;
	s10 =	sshll.u32 @!p1 s10, $0x4  }
0x93: {  	s8 =	smul.u32 $0xC8, s8;
	s4 =	sadd.s32 @!p1 s2, s10;
	s10 =	simm.s32 @!p1 $0x12E40  }
0x94: {  	[hbm4b:s4+s9] =	stream.linear.scatter @!p1 [tilespmem:s10], [sflag:$0xE], $0x4000, $0x38;
	[tilespmem:$0x1AE40] =	vst v63  }
0x95: {  	s11 =	simm.s32 @!p1 $0xE;
	s10 =	ssub.s32 s29, s8  }
0x96: {  	s14 =	sadd.s32 $0x280, s14;
	_ =	swait.ge @!p1 [sflag:s11], $0x4000;
	s4 =	sand.u32 $0xFFFF, s10  }
0x97: {  	s31 =	sadd.s32 $0xA00, s31;
	[sflag:s11] =	ssyncset.done @!p1 $0x0;
	s4 =	sshll.u32 s4, $0x7  }
0x98: {  	p2 =	sne.s32 s14, $0x6400;
	[sflag:s11] =	ssyncadd.s32 @!p1 $0xFFFFC000;
	s4 =	sadd.s32 s4, s3  }
0x99: {  	[tilespmem:s22], [sflag:$0x4] =	stream.linear.gather [spmem:s4], $0x4000, $0x38;
	[tilespmem:$0x1AE40] =	vst v63  }
0x9a: {  	s28 =	smov.u32 s31;
	p3 =	sne.s32 s1, $0x0;
	_ =	swait.ge [sflag:s23], $0x4000  }
0x9b: {  	s15 =	sadd.s32 $0x2800, s15;
	s28 =	simm.s32 @!p3 $0x0;
	[sflag:s23] =	ssyncset.done $0x0  }
0x9c: {  	s10 =	sand.u32 @p3 $0xFFF8, s1;
	s4 =	simm.s32 @!p1 $0xA;
	[sflag:s23] =	ssyncadd.s32 $0xFFFFC000  }
0x9d: {  	[tilespmem:s20], [sflag:$0x8] =	stream.indirect.gather.add.f32 [hbm:s0], $0x80, s7, s18, $0xb8;
	[tilespmem:$0x1AE40] =	vst v63  }
0x9e: {  	s13 =	simm.s32 $0x16E40;
	s10 =	sshrl.u32 @p3 s10, $0x3;
	_ =	swait.ge @!p1 [sflag:s4], $0x4000  }
.Ltmp0:
0x9f: {  	s11 =	simm.s32 @!p1 $0x16E40;
	s8 =	rddreg [dreg:$0x7];
	(pc) =	sbr.rel @p2 .LBB2_2-.Ltmp0, $4  }
0xa0: {  	s7 =	sshra.s32 @p3 s31, $0x2;
	[sflag:s4] =	ssyncset.done @!p1 $0x0;
	s12 =	sadd.s32 @!p1 s12, s8  }
0xa1: {  	s7 =	sadd.s32 @p3 $0xFFFFFF80, s7;
	[sflag:s4] =	ssyncadd.s32 @!p1 $0xFFFFC000;
	s4 =	sshll.u32 @!p1 s12, $0x4  }
0xa2: {  	s8 =	smul.u32 @p3 $0x147B, s10;
	s12 =	simm.s32 @!p1 $0xF;
	s4 =	sadd.s32 @!p1 s2, s4  }
0xa3: {  	[hbm4b:s4+s9] =	stream.linear.scatter @!p1 [tilespmem:s11], [sflag:$0xF], $0x4000, $0x38;
	[tilespmem:$0x1AE40] =	vst v63  }
0xa4: {  	_ =	swait.ge @!p1 [sflag:s12], $0x4000  }
0xa5: {  	[sflag:s12] =	ssyncset.done @!p1 $0x0  }
0xa6: {  	s4 =	sadd.s32 s6, s3;
	[sflag:s12] =	ssyncadd.s32 @!p1 $0xFFFFC000  }
0xa7: {  	[tilespmem:s13], [sflag:$0x5] =	stream.linear.gather [spmem:s4], $0x4000, $0x38;
	[tilespmem:$0x1AE40] =	vst v63  }
0xa8: {  	_ =	swait.ge [sflag:s25], $0x4000  }
0xa9: {  	[sflag:s25] =	ssyncset.done $0x0  }
0xaa: {  	s4 =	sshrl.u32 @p3 s8, $0x11;
	[sflag:s25] =	ssyncadd.s32 $0xFFFFC000  }
0xab: {  	[tilespmem:s22], [sflag:$0x9] =	stream.indirect.gather.add.f32 [hbm:s0], $0x80, s29, s18, $0xb8;
	[tilespmem:$0x1AE40] =	vst v63  }
0xac: {  	s4 =	smul.u32 @p3 $0xC8, s4;
	_ =	swait.ge [sflag:s26], $0x4000  }
0xad: {  	s6 =	simm.s32 @p3 $0xB;
	s10 =	sadd.s32 s2, s30;
	[sflag:s26] =	ssyncset.done $0x0  }
0xae: {  	s11 =	simm.s32 $0x0;
	s4 =	ssub.s32 @p3 s1, s4;
	[sflag:s26] =	ssyncadd.s32 $0xFFFFC000  }
0xaf: {  	[hbm4b:s10+s11] =	stream.linear.scatter [tilespmem:s19], [sflag:$0xB], $0x4000, $0x38;
	[tilespmem:$0x1AE40] =	vst v63  }
0xb0: {  	s9 =	simm.s32 @p3 $0x5;
	s4 =	sand.u32 @p3 $0xFFFF, s4;
	_ =	swait.ge @p3 [sflag:s6], $0x4000  }
0xb1: {  	s8 =	simm.s32 @p3 $0x6E40;
	s4 =	sshll.u32 @p3 s4, $0x7;
	[sflag:s6] =	ssyncset.done @p3 $0x0  }
0xb2: {  	s4 =	sadd.s32 @p3 s4, s3;
	[sflag:s6] =	ssyncadd.s32 @p3 $0xFFFFC000;
	s6 =	smov.u32 s1  }
0xb3: {  	[tilespmem:s8], [sflag:$0x1] =	stream.linear.gather @p3 [spmem:s4], $0x4000, $0x38;
	[tilespmem:$0x1AE40] =	vst v63  }
0xb4: {  	s6 =	simm.s32 @!p3 $0x0;
	_ =	swait.ge @p3 [sflag:s9], $0x4000  }
0xb5: {  	s4 =	simm.s32 @p3 $0x16E40;
	s12 =	sadd.s32 $0x80, s6;
	[sflag:s9] =	ssyncset.done @p3 $0x0  }
0xb6: {  	s14 =	sand.u32 $0xFFF8, s12;
	[sflag:s9] =	ssyncadd.s32 @p3 $0xFFFFC000;
	s9 =	simm.s32 @p3 $0x80  }
0xb7: {  	[tilespmem:s4], [sflag:$0xA] =	stream.indirect.gather.add.f32 @p3 [hbm:s0], $0x80, s7, s9, $0xb8;
	[tilespmem:$0x1AE40] =	vst v63  }
0xb8: {  	s7 =	simm.s32 @p3 $0x7;
	s4 =	sshrl.u32 s14, $0x3  }
0xb9: {  	_ =	swait.ge @p3 [sflag:s7], $0x4000;
	s4 =	smul.u32 $0x147B, s4  }
0xba: {  	s9 =	simm.s32 @p3 $0x0;
	[sflag:s7] =	ssyncset.done @p3 $0x0  }
0xbb: {  	[sflag:s7] =	ssyncadd.s32 @p3 $0xFFFFC000;
	s7 =	simm.s32 @p3 $0xAE40;
	s4 =	sshrl.u32 s4, $0x11  }
0xbc: {  	[hbm4b:s15+s9] =	stream.linear.scatter @p3 [tilespmem:s7], [sflag:$0xC], $0x4000, $0x38;
	[tilespmem:$0x1AE40] =	vst v63  }
0xbd: {  	s4 =	smul.u32 $0xC8, s4  }
0xbe: {  	s7 =	simm.s32 @p3 $0xC  }
0xbf: {  	_ =	swait.ge @p3 [sflag:s7], $0x4000;
	s4 =	ssub.s32 s12, s4  }
0xc0: {  	[sflag:s7] =	ssyncset.done @p3 $0x0;
	s4 =	sand.u32 $0xFFFF, s4  }
0xc1: {  	s9 =	simm.s32 @!p3 $0x6E40;
	[sflag:s7] =	ssyncadd.s32 @p3 $0xFFFFC000;
	s4 =	sshll.u32 s4, $0x7  }
0xc2: {  	[tilespmem:s9], [sflag:$0x1] =	stream.linear.gather @!p3 [spmem:s3], $0x4000, $0x38;
	[tilespmem:$0x1AE40] =	vst v63  }
0xc3: {  	s4 =	sadd.s32 s4, s3  }
0xc4: {  	[tilespmem:s16], [sflag:$0x2] =	stream.linear.gather [spmem:s4], $0x4000, $0x38;
	[tilespmem:$0x1AE40] =	vst v63  }
0xc5: {  	p1 =	seq.s32 s1, $0x0;
	_ =	swait.ge [sflag:s17], $0x4000  }
0xc6: {  	s15 =	sshra.s32 s28, $0x2;
	s28 =	sadd.s32 $0x100, s6;
	[sflag:s17] =	ssyncset.done $0x0  }
0xc7: {  	s29 =	sand.u32 $0xFFF8, s28;
	s7 =	simm.s32 @!p1 $0x8;
	[sflag:s17] =	ssyncadd.s32 $0xFFFFC000  }
0xc8: {  	[tilespmem:s19], [sflag:$0x6] =	stream.indirect.gather.add.f32 [hbm:s0], $0x80, s15, s18, $0xb8;
	[tilespmem:$0x1AE40] =	vst v63  }
0xc9: {  	s1 =	sshrl.u32 s29, $0x3;
	_ =	swait.ge @!p1 [sflag:s7], $0x4000  }
0xca: {  	s1 =	smul.u32 $0x147B, s1;
	s9 =	rddreg [dreg:$0x5]  }
0xcb: {  	s10 =	simm.s32 @!p1 $0x0;
	[sflag:s7] =	ssyncset.done @!p1 $0x0;
	s9 =	sadd.s32 @!p1 s6, s9  }
0xcc: {  	s1 =	sshrl.u32 s1, $0x11;
	[sflag:s7] =	ssyncadd.s32 @!p1 $0xFFFFC000;
	s7 =	sshll.u32 @!p1 s9, $0x4  }
0xcd: {  	s1 =	smul.u32 $0xC8, s1;
	s9 =	simm.s32 @!p1 $0xEE40;
	s7 =	sadd.s32 @!p1 s2, s7  }
0xce: {  	[hbm4b:s7+s10] =	stream.linear.scatter @!p1 [tilespmem:s9], [sflag:$0xD], $0x4000, $0x38;
	[tilespmem:$0x1AE40] =	vst v63  }
0xcf: {  	s1 =	ssub.s32 s28, s1;
	s7 =	simm.s32 @!p1 $0xD  }
0xd0: {  	s1 =	sand.u32 $0xFFFF, s1;
	_ =	swait.ge @!p1 [sflag:s7], $0x4000  }
0xd1: {  	s1 =	sshll.u32 s1, $0x7;
	[sflag:s7] =	ssyncset.done @!p1 $0x0  }
0xd2: {  	s1 =	sadd.s32 s1, s3;
	[sflag:s7] =	ssyncadd.s32 @!p1 $0xFFFFC000  }
0xd3: {  	[tilespmem:s20], [sflag:$0x3] =	stream.linear.gather [spmem:s1], $0x4000, $0x38;
	[tilespmem:$0x1AE40] =	vst v63  }
0xd4: {  	s30 =	sadd.s32 $0x180, s6;
	_ =	swait.ge [sflag:s21], $0x4000  }
0xd5: {  	s31 =	sand.u32 $0xFFF8, s30;
	[sflag:s21] =	ssyncset.done $0x0  }
0xd6: {  	s8 =	sshrl.u32 s31, $0x3;
	s1 =	simm.s32 @!p1 $0x9;
	[sflag:s21] =	ssyncadd.s32 $0xFFFFC000  }
0xd7: {  	[tilespmem:s16], [sflag:$0x7] =	stream.indirect.gather.add.f32 [hbm:s0], $0x80, s12, s18, $0xb8;
	[tilespmem:$0x1AE40] =	vst v63  }
0xd8: {  	s8 =	smul.u32 $0x147B, s8;
	_ =	swait.ge @!p1 [sflag:s1], $0x4000  }
0xd9: {  	s9 =	rddreg [dreg:$0x6]  }
0xda: {  	s8 =	sshrl.u32 s8, $0x11;
	s9 =	sadd.s32 @!p1 s6, s9  }
0xdb: {  	s8 =	smul.u32 $0xC8, s8;
	[sflag:s1] =	ssyncset.done @!p1 $0x0;
	s9 =	sshll.u32 @!p1 s9, $0x4  }
0xdc: {  	[sflag:s1] =	ssyncadd.s32 @!p1 $0xFFFFC000;
	s1 =	sadd.s32 @!p1 s2, s9;
	s9 =	simm.s32 @!p1 $0x12E40  }
0xdd: {  	[hbm4b:s1+s10] =	stream.linear.scatter @!p1 [tilespmem:s9], [sflag:$0xE], $0x4000, $0x38;
	[tilespmem:$0x1AE40] =	vst v63  }
0xde: {  	s8 =	ssub.s32 s30, s8;
	s1 =	simm.s32 @!p1 $0xE  }
0xdf: {  	s8 =	sand.u32 $0xFFFF, s8;
	s12 =	sadd.s32 $0x200, s6;
	_ =	swait.ge @!p1 [sflag:s1], $0x4000  }
0xe0: {  	s8 =	sshll.u32 s8, $0x7;
	s14 =	sand.u32 $0xFFF8, s12;
	[sflag:s1] =	ssyncset.done @!p1 $0x0  }
0xe1: {  	s4 =	sshrl.u32 s14, $0x3;
	s9 =	sadd.s32 s8, s3;
	[sflag:s1] =	ssyncadd.s32 @!p1 $0xFFFFC000  }
0xe2: {  	[tilespmem:s22], [sflag:$0x4] =	stream.linear.gather [spmem:s9], $0x4000, $0x38;
	[tilespmem:$0x1AE40] =	vst v63  }
0xe3: {  	s4 =	smul.u32 $0x147B, s4;
	_ =	swait.ge [sflag:s23], $0x4000  }
0xe4: {  	[sflag:s23] =	ssyncset.done $0x0  }
0xe5: {  	s4 =	sshrl.u32 s4, $0x11;
	s8 =	simm.s32 @!p1 $0xA;
	[sflag:s23] =	ssyncadd.s32 $0xFFFFC000  }
0xe6: {  	[tilespmem:s20], [sflag:$0x8] =	stream.indirect.gather.add.f32 [hbm:s0], $0x80, s28, s18, $0xb8;
	[tilespmem:$0x1AE40] =	vst v63  }
0xe7: {  	s4 =	smul.u32 $0xC8, s4;
	_ =	swait.ge @!p1 [sflag:s8], $0x4000  }
0xe8: {  	s9 =	rddreg [dreg:$0x7]  }
0xe9: {  	s1 =	ssub.s32 s12, s4;
	s9 =	sadd.s32 @!p1 s6, s9  }
0xea: {  	s4 =	simm.s32 @!p1 $0xF;
	[sflag:s8] =	ssyncset.done @!p1 $0x0;
	s9 =	sshll.u32 @!p1 s9, $0x4  }
0xeb: {  	[sflag:s8] =	ssyncadd.s32 @!p1 $0xFFFFC000;
	s8 =	simm.s32 @!p1 $0x16E40;
	s9 =	sadd.s32 @!p1 s2, s9  }
0xec: {  	[hbm4b:s9+s10] =	stream.linear.scatter @!p1 [tilespmem:s8], [sflag:$0xF], $0x4000, $0x38;
	[tilespmem:$0x1AE40] =	vst v63  }
0xed: {  	s1 =	sand.u32 $0xFFFF, s1;
	_ =	swait.ge @!p1 [sflag:s4], $0x4000  }
0xee: {  	s1 =	sshll.u32 s1, $0x7;
	[sflag:s4] =	ssyncset.done @!p1 $0x0  }
0xef: {  	s1 =	sadd.s32 s1, s3;
	[sflag:s4] =	ssyncadd.s32 @!p1 $0xFFFFC000  }
0xf0: {  	[tilespmem:s13], [sflag:$0x5] =	stream.linear.gather [spmem:s1], $0x4000, $0x38;
	[tilespmem:$0x1AE40] =	vst v63  }
0xf1: {  	_ =	swait.ge [sflag:s25], $0x4000  }
0xf2: {  	[sflag:s25] =	ssyncset.done $0x0  }
0xf3: {  	[sflag:s25] =	ssyncadd.s32 $0xFFFFC000  }
0xf4: {  	[tilespmem:s22], [sflag:$0x9] =	stream.indirect.gather.add.f32 [hbm:s0], $0x80, s30, s18, $0xb8;
	[tilespmem:$0x1AE40] =	vst v63  }
0xf5: {  	s15 =	sadd.s32 s5, s6;
	_ =	swait.ge [sflag:s26], $0x4000  }
0xf6: {  	s1 =	sshll.u32 s15, $0x4;
	[sflag:s26] =	ssyncset.done $0x0  }
0xf7: {  	s28 =	simm.s32 $0x5;
	s1 =	sadd.s32 s2, s1;
	[sflag:s26] =	ssyncadd.s32 $0xFFFFC000  }
0xf8: {  	[hbm4b:s1+s11] =	stream.linear.scatter [tilespmem:s19], [sflag:$0xB], $0x4000, $0x38;
	[tilespmem:$0x1AE40] =	vst v63  }
0xf9: {  	_ =	swait.ge [sflag:s28], $0x4000  }
0xfa: {  	[sflag:s28] =	ssyncset.done $0x0  }
0xfb: {  	s29 =	simm.s32 $0x6380;
	s30 =	simm.s32 $0x7;
	[sflag:s28] =	ssyncadd.s32 $0xFFFFC000  }
0xfc: {  	[tilespmem:s13], [sflag:$0xA] =	stream.indirect.gather.add.f32 [hbm:s0], $0x80, s29, s18, $0xb8;
	[tilespmem:$0x1AE40] =	vst v63  }
0xfd: {  	_ =	swait.ge [sflag:s30], $0x4000  }
0xfe: {  	[sflag:s30] =	ssyncset.done $0x0  }
0xff: {  	s4 =	simm.s32 $0x8;
	s31 =	rddreg [dreg:$0xa];
	[sflag:s30] =	ssyncadd.s32 $0xFFFFC000  }
0x100: {  	[hbm4b:s31+s11] =	stream.linear.scatter [tilespmem:s16], [sflag:$0xC], $0x4000, $0x38;
	[tilespmem:$0x1AE40] =	vst v63  }
0x101: {  	_ =	swait.ge [sflag:s4], $0x4000  }
0x102: {  	[sflag:s4] =	ssyncset.done $0x0  }
0x103: {  	s7 =	simm.s32 $0x9;
	s6 =	rddreg [dreg:$0xb];
	[sflag:s4] =	ssyncadd.s32 $0xFFFFC000  }
0x104: {  	[hbm4b:s6+s11] =	stream.linear.scatter [tilespmem:s20], [sflag:$0xD], $0x4000, $0x38;
	[tilespmem:$0x1AE40] =	vst v63  }
0x105: {  	_ =	swait.ge [sflag:s7], $0x4000  }
0x106: {  	[sflag:s7] =	ssyncset.done $0x0  }
0x107: {  	s9 =	simm.s32 $0xA;
	s8 =	rddreg [dreg:$0xc];
	[sflag:s7] =	ssyncadd.s32 $0xFFFFC000  }
0x108: {  	[hbm4b:s8+s11] =	stream.linear.scatter [tilespmem:s22], [sflag:$0xE], $0x4000, $0x38;
	[tilespmem:$0x1AE40] =	vst v63  }
0x109: {  	_ =	swait.ge [sflag:s9], $0x4000  }
0x10a: {  	[sflag:s9] =	ssyncset.done $0x0  }
0x10b: {  	s12 =	simm.s32 $0xB;
	s10 =	rddreg [dreg:$0xd];
	[sflag:s9] =	ssyncadd.s32 $0xFFFFC000  }
0x10c: {  	[hbm4b:s10+s11] =	stream.linear.scatter [tilespmem:s13], [sflag:$0xF], $0x4000, $0x38;
	[tilespmem:$0x1AE40] =	vst v63  }
0x10d: {  	_ =	swait.ge [sflag:s12], $0x4000  }
0x10e: {  	[sflag:s12] =	ssyncset.done $0x0  }
0x10f: {  	s14 =	simm.s32 $0xC;
	[sflag:s12] =	ssyncadd.s32 $0xFFFFC000  }
0x110: {  	_ =	swait.ge [sflag:s14], $0x4000  }
0x111: {  	[sflag:s14] =	ssyncset.done $0x0  }
0x112: {  	s15 =	simm.s32 $0xD;
	[sflag:s14] =	ssyncadd.s32 $0xFFFFC000  }
0x113: {  	_ =	swait.ge [sflag:s15], $0x4000  }
0x114: {  	[sflag:s15] =	ssyncset.done $0x0  }
0x115: {  	s28 =	simm.s32 $0xE;
	[sflag:s15] =	ssyncadd.s32 $0xFFFFC000  }
0x116: {  	_ =	swait.ge [sflag:s28], $0x4000  }
0x117: {  	[sflag:s28] =	ssyncset.done $0x0  }
0x118: {  	s29 =	simm.s32 $0xF;
	[sflag:s28] =	ssyncadd.s32 $0xFFFFC000  }
0x119: {  	_ =	swait.ge [sflag:s29], $0x4000  }
0x11a: {  	s30 =	rddreg [dreg:$0x11]  }
0x11b: {  	s31 =	rddreg [dreg:$0xe];
	s6 =	sadd.s32 $0x1, s30  }
0x11c: {  	p1 =	sne.s32 s6, s31  }
.Ltmp1:
0x11d: {  	_ = 	snop;
	(pc) =	sbr.rel @p1 .LBB2_1-.Ltmp1, $3  }
0x11e: {  	_ =	sdelay $0x1  }
0x11f: {  	[sflag:s29] =	ssyncset.done $0x0  }
0x120: {  	[sflag:s29] =	ssyncadd.s32 $0xFFFFC000  }
0x121: {  	_ =	sfence.sel $0x180000  }
0x122: {  	[bflag:$0x0] =	sbarrier.arrive $0xFFFF  }
0x123: {  	_ =	strace $0x90000047  }
0x124: {  	[bflag:$0x2] =	sbarrier.arrive $0xFFFF  }
0x125: {  	s0 =	rddreg [dreg:$0x4]  }
0x126: {  	s0 =	sadd.s32 @!p0 $0x100000, s0  }
0x127: {  	[sflag:s0] =	ssyncadd.tile.s32 @!p0 $0x1;
	_ =	shalt  }
.Lfunc_end2:
_tile_overlayer_lowered:
.L_overlay_start_2:
0x128: {  	(tag) =	ssettag $0x2  }
0x129: {  	s0 =	rddreg [dreg:$0x0];
	s2 =	stileid.u32  }
0x12a: {  	s1 =	rddreg [dreg:$0x1];
	p0 =	sne.s32 s2, $0x0  }
0x12b: {  	s3 =	rddreg [dreg:$0x2];
	[bflag:$0x3] =	sbarrier.arrive $0xFFFF;
	s2 =	simm.s32 @!p0 $0x1C10  }
0x12c: {  	[timem:s3], [sflag:s2] =	dma.local @!p0 [hbm:s0], s1  }
0x12d: {  	s0 =	simm.s32 @!p0 $0x10  }
0x12e: {  	_ =	swait.ge @!p0 [sflag:s0], s1  }
0x12f: {  	s1 =	ssub.s32 @!p0 $0x0, s1;
	[sflag:s0] =	ssyncset.done @!p0 $0x0  }
0x130: {  	[sflag:s0] =	ssyncadd.s32 @!p0 s1  }
0x131: {  	[bflag:$0x3] =	sbarrier.arrive $0xFFFF  }
0x132: {  	_ =	shalt  }

</sc_bundles>
